<compile_context>
chip_gen: v7x
topology: tpu7x:2x2x1
jax: 0.10.2.dev20260603
libtpu: 0.0.44.dev20260713+nightly
codegen_flags: <defaults>
</compile_context>

<pallas_src>
import functools

import jax
import jax.numpy as jnp
from jax import lax
from jax.experimental import pallas as pl
from jax.experimental.pallas import tpu as pltpu
from jax.experimental.pallas import tpu_sc as plsc

_VOCAB = 100000
_DIM = 128
_NTOK = 16384

_NC = 2
_NS = 16
_NW = _NC * _NS
_BPW = _NTOK // _NW
_CHUNK = 64
_NCH = _BPW // _CHUNK
_LANES = 16
_NV = _DIM // _LANES


@functools.partial(
    pl.kernel,
    out_type=[
        jax.ShapeDtypeStruct((_NW, _DIM), jnp.float32),
        jax.ShapeDtypeStruct((1, _DIM), jnp.float32),
    ],
    mesh=plsc.VectorSubcoreMesh(core_axis_name="c", subcore_axis_name="s"),
    scratch_types=[
        pltpu.VMEM((_NCH, _CHUNK), jnp.int32),
        pltpu.VMEM((_BPW, _DIM), jnp.float32),
        pltpu.VMEM((_DIM,), jnp.float32),
        pltpu.VMEM((1,), jnp.int32),
        pltpu.VMEM((1, _DIM), jnp.float32),
        pltpu.SemaphoreType.DMA((_NCH,)),
        pltpu.SemaphoreType.DMA((_NCH,)),
        pltpu.SemaphoreType.DMA,
    ],
)
def _sc_gather_sum(idx_hbm, main_hbm, table_hbm, partials_out, main_out,
                   idx_v, rows_v, acc_v, midx_v, mrow_v, isems, sems, msem):
    wid = lax.axis_index("s") * _NC + lax.axis_index("c")
    base = wid * _BPW
    @pl.when(wid == 0)
    def _():
        pltpu.async_copy(main_hbm, midx_v, msem)

    for c in range(_NCH):
        pltpu.async_copy(idx_hbm.at[pl.ds(base + c * _CHUNK, _CHUNK)],
                         idx_v.at[c], isems.at[c])
    for c in range(_NCH):
        pltpu.make_async_copy(idx_hbm.at[pl.ds(base, _CHUNK)],
                              idx_v.at[c], isems.at[c]).wait()
        pltpu.async_copy(table_hbm.at[idx_v.at[c]],
                         rows_v.at[pl.ds(c * _CHUNK, _CHUNK)], sems.at[c])

    @pl.when(wid == 0)
    def _():
        pltpu.make_async_copy(main_hbm, midx_v, msem).wait()
        pltpu.async_copy(table_hbm.at[midx_v], mrow_v, msem)

    _UNROLL = 16
    acc0 = tuple(jnp.zeros((_LANES,), jnp.float32) for _ in range(_NV))

    def chunk_body(c, a):
        pltpu.make_async_copy(table_hbm.at[idx_v.at[0]],
                              rows_v.at[pl.ds(0, _CHUNK)], sems.at[c]).wait()

        def body(r, a):
            return tuple(a[v] + rows_v[c * _CHUNK + r, pl.ds(v * _LANES, _LANES)]
                         for v in range(_NV))

        return plsc.parallel_loop(0, _CHUNK, 1, unroll=_UNROLL, carry=a)(body)

    acc = lax.fori_loop(0, _NCH, chunk_body, acc0)

    for v in range(_NV):
        acc_v[pl.ds(v * _LANES, _LANES)] = acc[v]

    @pl.when(wid == 0)
    def _():
        pltpu.make_async_copy(table_hbm.at[midx_v], mrow_v, msem).wait()
        pltpu.async_copy(mrow_v, main_out, msem)
    pltpu.sync_copy(acc_v, partials_out.at[wid])
    @pl.when(wid == 0)
    def _():
        pltpu.make_async_copy(mrow_v, main_out, msem).wait()


def _tc_finish_body(partials_ref, mrow_ref, fcw_ref, fcb_ref, out_ref):
    s = jnp.sum(partials_ref[...], axis=0, keepdims=True)
    combined = s * (0.5 / _NTOK) + mrow_ref[...] * 0.5
    out_ref[...] = lax.dot_general(
        combined, fcw_ref[...], (((1,), (1,)), ((), ())),
        preferred_element_type=jnp.float32,
    ) + fcb_ref[...]


def kernel(ingredient_tokens, main_token, emb_table, fc_w, fc_b):
    partials, main_row = _sc_gather_sum(ingredient_tokens, main_token, emb_table)
    out = pl.pallas_call(
        _tc_finish_body,
        out_shape=jax.ShapeDtypeStruct((1, _DIM), jnp.float32),
    )(partials, main_row, fc_w, fc_b.reshape(1, _DIM))
    return out

# --- scband reference (transcript-rebuilt; emitter-appended) ---
"""Pipeline reference for scband-cocktail-embedding-model-44461501448735 (READ-ONLY COPY).

The authoritative reference and input builder live on the scoring server;
editing this copy changes nothing except your own understanding.
"""

import jax, jax.numpy as jnp
import numpy as np

VOCAB = 100000
DIM = 128
NTOK = 16384


def setup_inputs(seed: int = 0) -> dict:
    key = jax.random.key(seed)
    k1, k2, k3, k4, k5 = jax.random.split(key, 5)
    ingredient_tokens = jax.random.randint(k1, (NTOK,), 0, VOCAB, dtype=jnp.int32)
    main_token = jax.random.randint(k2, (1,), 0, VOCAB, dtype=jnp.int32)
    emb_table = jax.random.normal(k3, (VOCAB, DIM), dtype=jnp.float32) * 0.02
    fc_w = jax.random.normal(k4, (DIM, DIM), dtype=jnp.float32) * (1.0 / np.sqrt(DIM))
    fc_b = jax.random.normal(k5, (DIM,), dtype=jnp.float32) * 0.01
    return {
        "ingredient_tokens": ingredient_tokens,
        "main_token": main_token,
        "emb_table": emb_table,
        "fc_w": fc_w,
        "fc_b": fc_b,
    }


def reference(ingredient_tokens, main_token, emb_table, fc_w, fc_b):
    # ingr_embs = self.ingredient_emb(ingredient_tokens)
    ingr_embs = jnp.take(emb_table, ingredient_tokens, axis=0)  # [NTOK, DIM]
    # ingr_vector = ingr_embs.mean(dim=0)
    ingr_vector = jnp.mean(ingr_embs, axis=0)  # [DIM]
    # main_emb = self.ingredient_emb(main_token)
    main_emb = jnp.take(emb_table, main_token, axis=0)  # [1, DIM]
    # combined = (ingr_vector + main_emb) / 2
    combined = (ingr_vector + main_emb) / 2.0  # [1, DIM] via broadcast
    # return self.fc(combined)
    out = combined @ fc_w.T + fc_b  # [1, DIM]
    return out

if __name__ == "__main__":
    import jax
    _d = setup_inputs()
    print(jax.jit(kernel)(*tuple(_d.values())))

</pallas_src>

<mosaic_0001>
#map = affine_map<(d0, d1) -> (0)>
#map1 = affine_map<(d0, d1) -> (0, 0)>
module attributes {stable_mosaic.version = 14 : i64} {
  func.func @_sc_gather_sum(%arg0: i32, %arg1: i32, %arg2: memref<16384xi32, #tpu.memory_space<hbm>>, %arg3: memref<1xi32, #tpu.memory_space<hbm>>, %arg4: memref<100000x128xf32, #tpu.memory_space<hbm>>, %arg5: memref<32x128xf32, #tpu.memory_space<hbm>>, %arg6: memref<1x128xf32, #tpu.memory_space<hbm>>, %arg7: memref<8x64xi32, #tpu.memory_space<vmem>>, %arg8: memref<512x128xf32, #tpu.memory_space<vmem>>, %arg9: memref<128xf32, #tpu.memory_space<vmem>>, %arg10: memref<1xi32, #tpu.memory_space<vmem>>, %arg11: memref<1x128xf32, #tpu.memory_space<vmem>>, %arg12: memref<8x!tpu.dma_semaphore, #tpu.memory_space<semaphore_mem>>, %arg13: memref<8x!tpu.dma_semaphore, #tpu.memory_space<semaphore_mem>>, %arg14: memref<!tpu.dma_semaphore, #tpu.memory_space<semaphore_mem>>) attributes {dimension_semantics = [#tpu.dimension_semantics<core_parallel>, #tpu.dimension_semantics<subcore_parallel>], iteration_bounds = array<i64: 2, 16>, scalar_prefetch = 0 : i64, scratch_operands = 8 : i64, tpu.core_type = #tpu.core_type<sc_vector_subcore>, window_params = [{transform_indices = #map}, {transform_indices = #map}, {transform_indices = #map1}, {transform_indices = #map1}, {transform_indices = #map1}]} {
    %mul3A = arith.constant 2 : i32
    %mul3A_0 = arith.muli %arg1, %mul3A : i32
    %add3A = arith.addi %mul3A_0, %arg0 : i32
    %mul3A_1 = arith.constant 512 : i32
    %mul3A_2 = arith.muli %add3A, %mul3A_1 : i32
    %eq3A = arith.constant 0 : i32
    %eq3A_3 = arith.cmpi eq, %add3A, %eq3A : i32
    %convert_element_type3A = arith.extui %eq3A_3 : i1 to i32
    %cond3A = arith.constant 0 : i32
    %cond3A_4 = arith.cmpi ne, %convert_element_type3A, %cond3A : i32
    scf.if %cond3A_4 {
      tpu.enqueue_dma source(%arg3 : memref<1xi32, #tpu.memory_space<hbm>>) target(%arg10 : memref<1xi32, #tpu.memory_space<vmem>>) target_semaphore(%arg14 : memref<!tpu.dma_semaphore, #tpu.memory_space<semaphore_mem>>)
    } else {
    }
    %add3A_5 = arith.constant 0 : i32
    %add3A_6 = arith.addi %mul3A_2, %add3A_5 : i32
    %dma_start3A = arith.constant 0 : i32
    %dma_start3A_7 = arith.constant 0 : i32
    %dma_start3A_8 = arith.constant 0 : i32
    %dma_start3A_9 = tpu.memref_slice %arg7[%dma_start3A, %dma_start3A_8] : memref<8x64xi32, #tpu.memory_space<vmem>> -> memref<1x64xi32, #tpu.memory_space<vmem>>
    %dma_start3A_10 = tpu.memref_squeeze %dma_start3A_9 : memref<1x64xi32, #tpu.memory_space<vmem>> -> memref<64xi32, #tpu.memory_space<vmem>>
    %dma_start3A_11 = tpu.memref_slice %arg2[%add3A_6] : memref<16384xi32, #tpu.memory_space<hbm>> -> memref<64xi32, #tpu.memory_space<hbm>>
    %dma_start3A_12 = tpu.memref_slice %arg12[%dma_start3A_7] : memref<8x!tpu.dma_semaphore, #tpu.memory_space<semaphore_mem>> -> memref<1x!tpu.dma_semaphore, #tpu.memory_space<semaphore_mem>>
    %dma_start3A_13 = tpu.memref_squeeze %dma_start3A_12 : memref<1x!tpu.dma_semaphore, #tpu.memory_space<semaphore_mem>> -> memref<!tpu.dma_semaphore, #tpu.memory_space<semaphore_mem>>
    %dma_start3A_14 = arith.constant 0 : i32
    %dma_start3A_15 = tpu.memref_slice %arg7[%dma_start3A, %dma_start3A_14] : memref<8x64xi32, #tpu.memory_space<vmem>> -> memref<1x64xi32, #tpu.memory_space<vmem>>
    %dma_start3A_16 = tpu.memref_squeeze %dma_start3A_15 : memref<1x64xi32, #tpu.memory_space<vmem>> -> memref<64xi32, #tpu.memory_space<vmem>>
    %dma_start3A_17 = tpu.memref_slice %arg2[%add3A_6] : memref<16384xi32, #tpu.memory_space<hbm>> -> memref<64xi32, #tpu.memory_space<hbm>>
    tpu.enqueue_dma source(%dma_start3A_17 : memref<64xi32, #tpu.memory_space<hbm>>) target(%dma_start3A_16 : memref<64xi32, #tpu.memory_space<vmem>>) target_semaphore(%dma_start3A_13 : memref<!tpu.dma_semaphore, #tpu.memory_space<semaphore_mem>>)
    %add3A_18 = arith.constant 64 : i32
    %add3A_19 = arith.addi %mul3A_2, %add3A_18 : i32
    %dma_start3A_20 = arith.constant 1 : i32
    %dma_start3A_21 = arith.constant 1 : i32
    %dma_start3A_22 = arith.constant 0 : i32
    %dma_start3A_23 = tpu.memref_slice %arg7[%dma_start3A_20, %dma_start3A_22] : memref<8x64xi32, #tpu.memory_space<vmem>> -> memref<1x64xi32, #tpu.memory_space<vmem>>
    %dma_start3A_24 = tpu.memref_squeeze %dma_start3A_23 : memref<1x64xi32, #tpu.memory_space<vmem>> -> memref<64xi32, #tpu.memory_space<vmem>>
    %dma_start3A_25 = tpu.memref_slice %arg2[%add3A_19] : memref<16384xi32, #tpu.memory_space<hbm>> -> memref<64xi32, #tpu.memory_space<hbm>>
    %dma_start3A_26 = tpu.memref_slice %arg12[%dma_start3A_21] : memref<8x!tpu.dma_semaphore, #tpu.memory_space<semaphore_mem>> -> memref<1x!tpu.dma_semaphore, #tpu.memory_space<semaphore_mem>>
    %dma_start3A_27 = tpu.memref_squeeze %dma_start3A_26 : memref<1x!tpu.dma_semaphore, #tpu.memory_space<semaphore_mem>> -> memref<!tpu.dma_semaphore, #tpu.memory_space<semaphore_mem>>
    %dma_start3A_28 = arith.constant 0 : i32
    %dma_start3A_29 = tpu.memref_slice %arg7[%dma_start3A_20, %dma_start3A_28] : memref<8x64xi32, #tpu.memory_space<vmem>> -> memref<1x64xi32, #tpu.memory_space<vmem>>
    %dma_start3A_30 = tpu.memref_squeeze %dma_start3A_29 : memref<1x64xi32, #tpu.memory_space<vmem>> -> memref<64xi32, #tpu.memory_space<vmem>>
    %dma_start3A_31 = tpu.memref_slice %arg2[%add3A_19] : memref<16384xi32, #tpu.memory_space<hbm>> -> memref<64xi32, #tpu.memory_space<hbm>>
    tpu.enqueue_dma source(%dma_start3A_31 : memref<64xi32, #tpu.memory_space<hbm>>) target(%dma_start3A_30 : memref<64xi32, #tpu.memory_space<vmem>>) target_semaphore(%dma_start3A_27 : memref<!tpu.dma_semaphore, #tpu.memory_space<semaphore_mem>>)
    %add3A_32 = arith.constant 128 : i32
    %add3A_33 = arith.addi %mul3A_2, %add3A_32 : i32
    %dma_start3A_34 = arith.constant 2 : i32
    %dma_start3A_35 = arith.constant 2 : i32
    %dma_start3A_36 = arith.constant 0 : i32
    %dma_start3A_37 = tpu.memref_slice %arg7[%dma_start3A_34, %dma_start3A_36] : memref<8x64xi32, #tpu.memory_space<vmem>> -> memref<1x64xi32, #tpu.memory_space<vmem>>
    %dma_start3A_38 = tpu.memref_squeeze %dma_start3A_37 : memref<1x64xi32, #tpu.memory_space<vmem>> -> memref<64xi32, #tpu.memory_space<vmem>>
    %dma_start3A_39 = tpu.memref_slice %arg2[%add3A_33] : memref<16384xi32, #tpu.memory_space<hbm>> -> memref<64xi32, #tpu.memory_space<hbm>>
    %dma_start3A_40 = tpu.memref_slice %arg12[%dma_start3A_35] : memref<8x!tpu.dma_semaphore, #tpu.memory_space<semaphore_mem>> -> memref<1x!tpu.dma_semaphore, #tpu.memory_space<semaphore_mem>>
    %dma_start3A_41 = tpu.memref_squeeze %dma_start3A_40 : memref<1x!tpu.dma_semaphore, #tpu.memory_space<semaphore_mem>> -> memref<!tpu.dma_semaphore, #tpu.memory_space<semaphore_mem>>
    %dma_start3A_42 = arith.constant 0 : i32
    %dma_start3A_43 = tpu.memref_slice %arg7[%dma_start3A_34, %dma_start3A_42] : memref<8x64xi32, #tpu.memory_space<vmem>> -> memref<1x64xi32, #tpu.memory_space<vmem>>
    %dma_start3A_44 = tpu.memref_squeeze %dma_start3A_43 : memref<1x64xi32, #tpu.memory_space<vmem>> -> memref<64xi32, #tpu.memory_space<vmem>>
    %dma_start3A_45 = tpu.memref_slice %arg2[%add3A_33] : memref<16384xi32, #tpu.memory_space<hbm>> -> memref<64xi32, #tpu.memory_space<hbm>>
    tpu.enqueue_dma source(%dma_start3A_45 : memref<64xi32, #tpu.memory_space<hbm>>) target(%dma_start3A_44 : memref<64xi32, #tpu.memory_space<vmem>>) target_semaphore(%dma_start3A_41 : memref<!tpu.dma_semaphore, #tpu.memory_space<semaphore_mem>>)
    %add3A_46 = arith.constant 192 : i32
    %add3A_47 = arith.addi %mul3A_2, %add3A_46 : i32
    %dma_start3A_48 = arith.constant 3 : i32
    %dma_start3A_49 = arith.constant 3 : i32
    %dma_start3A_50 = arith.constant 0 : i32
    %dma_start3A_51 = tpu.memref_slice %arg7[%dma_start3A_48, %dma_start3A_50] : memref<8x64xi32, #tpu.memory_space<vmem>> -> memref<1x64xi32, #tpu.memory_space<vmem>>
    %dma_start3A_52 = tpu.memref_squeeze %dma_start3A_51 : memref<1x64xi32, #tpu.memory_space<vmem>> -> memref<64xi32, #tpu.memory_space<vmem>>
    %dma_start3A_53 = tpu.memref_slice %arg2[%add3A_47] : memref<16384xi32, #tpu.memory_space<hbm>> -> memref<64xi32, #tpu.memory_space<hbm>>
    %dma_start3A_54 = tpu.memref_slice %arg12[%dma_start3A_49] : memref<8x!tpu.dma_semaphore, #tpu.memory_space<semaphore_mem>> -> memref<1x!tpu.dma_semaphore, #tpu.memory_space<semaphore_mem>>
    %dma_start3A_55 = tpu.memref_squeeze %dma_start3A_54 : memref<1x!tpu.dma_semaphore, #tpu.memory_space<semaphore_mem>> -> memref<!tpu.dma_semaphore, #tpu.memory_space<semaphore_mem>>
    %dma_start3A_56 = arith.constant 0 : i32
    %dma_start3A_57 = tpu.memref_slice %arg7[%dma_start3A_48, %dma_start3A_56] : memref<8x64xi32, #tpu.memory_space<vmem>> -> memref<1x64xi32, #tpu.memory_space<vmem>>
    %dma_start3A_58 = tpu.memref_squeeze %dma_start3A_57 : memref<1x64xi32, #tpu.memory_space<vmem>> -> memref<64xi32, #tpu.memory_space<vmem>>
    %dma_start3A_59 = tpu.memref_slice %arg2[%add3A_47] : memref<16384xi32, #tpu.memory_space<hbm>> -> memref<64xi32, #tpu.memory_space<hbm>>
    tpu.enqueue_dma source(%dma_start3A_59 : memref<64xi32, #tpu.memory_space<hbm>>) target(%dma_start3A_58 : memref<64xi32, #tpu.memory_space<vmem>>) target_semaphore(%dma_start3A_55 : memref<!tpu.dma_semaphore, #tpu.memory_space<semaphore_mem>>)
    %add3A_60 = arith.constant 256 : i32
    %add3A_61 = arith.addi %mul3A_2, %add3A_60 : i32
    %dma_start3A_62 = arith.constant 4 : i32
    %dma_start3A_63 = arith.constant 4 : i32
    %dma_start3A_64 = arith.constant 0 : i32
    %dma_start3A_65 = tpu.memref_slice %arg7[%dma_start3A_62, %dma_start3A_64] : memref<8x64xi32, #tpu.memory_space<vmem>> -> memref<1x64xi32, #tpu.memory_space<vmem>>
    %dma_start3A_66 = tpu.memref_squeeze %dma_start3A_65 : memref<1x64xi32, #tpu.memory_space<vmem>> -> memref<64xi32, #tpu.memory_space<vmem>>
    %dma_start3A_67 = tpu.memref_slice %arg2[%add3A_61] : memref<16384xi32, #tpu.memory_space<hbm>> -> memref<64xi32, #tpu.memory_space<hbm>>
    %dma_start3A_68 = tpu.memref_slice %arg12[%dma_start3A_63] : memref<8x!tpu.dma_semaphore, #tpu.memory_space<semaphore_mem>> -> memref<1x!tpu.dma_semaphore, #tpu.memory_space<semaphore_mem>>
    %dma_start3A_69 = tpu.memref_squeeze %dma_start3A_68 : memref<1x!tpu.dma_semaphore, #tpu.memory_space<semaphore_mem>> -> memref<!tpu.dma_semaphore, #tpu.memory_space<semaphore_mem>>
    %dma_start3A_70 = arith.constant 0 : i32
    %dma_start3A_71 = tpu.memref_slice %arg7[%dma_start3A_62, %dma_start3A_70] : memref<8x64xi32, #tpu.memory_space<vmem>> -> memref<1x64xi32, #tpu.memory_space<vmem>>
    %dma_start3A_72 = tpu.memref_squeeze %dma_start3A_71 : memref<1x64xi32, #tpu.memory_space<vmem>> -> memref<64xi32, #tpu.memory_space<vmem>>
    %dma_start3A_73 = tpu.memref_slice %arg2[%add3A_61] : memref<16384xi32, #tpu.memory_space<hbm>> -> memref<64xi32, #tpu.memory_space<hbm>>
    tpu.enqueue_dma source(%dma_start3A_73 : memref<64xi32, #tpu.memory_space<hbm>>) target(%dma_start3A_72 : memref<64xi32, #tpu.memory_space<vmem>>) target_semaphore(%dma_start3A_69 : memref<!tpu.dma_semaphore, #tpu.memory_space<semaphore_mem>>)
    %add3A_74 = arith.constant 320 : i32
    %add3A_75 = arith.addi %mul3A_2, %add3A_74 : i32
    %dma_start3A_76 = arith.constant 5 : i32
    %dma_start3A_77 = arith.constant 5 : i32
    %dma_start3A_78 = arith.constant 0 : i32
    %dma_start3A_79 = tpu.memref_slice %arg7[%dma_start3A_76, %dma_start3A_78] : memref<8x64xi32, #tpu.memory_space<vmem>> -> memref<1x64xi32, #tpu.memory_space<vmem>>
    %dma_start3A_80 = tpu.memref_squeeze %dma_start3A_79 : memref<1x64xi32, #tpu.memory_space<vmem>> -> memref<64xi32, #tpu.memory_space<vmem>>
    %dma_start3A_81 = tpu.memref_slice %arg2[%add3A_75] : memref<16384xi32, #tpu.memory_space<hbm>> -> memref<64xi32, #tpu.memory_space<hbm>>
    %dma_start3A_82 = tpu.memref_slice %arg12[%dma_start3A_77] : memref<8x!tpu.dma_semaphore, #tpu.memory_space<semaphore_mem>> -> memref<1x!tpu.dma_semaphore, #tpu.memory_space<semaphore_mem>>
    %dma_start3A_83 = tpu.memref_squeeze %dma_start3A_82 : memref<1x!tpu.dma_semaphore, #tpu.memory_space<semaphore_mem>> -> memref<!tpu.dma_semaphore, #tpu.memory_space<semaphore_mem>>
    %dma_start3A_84 = arith.constant 0 : i32
    %dma_start3A_85 = tpu.memref_slice %arg7[%dma_start3A_76, %dma_start3A_84] : memref<8x64xi32, #tpu.memory_space<vmem>> -> memref<1x64xi32, #tpu.memory_space<vmem>>
    %dma_start3A_86 = tpu.memref_squeeze %dma_start3A_85 : memref<1x64xi32, #tpu.memory_space<vmem>> -> memref<64xi32, #tpu.memory_space<vmem>>
    %dma_start3A_87 = tpu.memref_slice %arg2[%add3A_75] : memref<16384xi32, #tpu.memory_space<hbm>> -> memref<64xi32, #tpu.memory_space<hbm>>
    tpu.enqueue_dma source(%dma_start3A_87 : memref<64xi32, #tpu.memory_space<hbm>>) target(%dma_start3A_86 : memref<64xi32, #tpu.memory_space<vmem>>) target_semaphore(%dma_start3A_83 : memref<!tpu.dma_semaphore, #tpu.memory_space<semaphore_mem>>)
    %add3A_88 = arith.constant 384 : i32
    %add3A_89 = arith.addi %mul3A_2, %add3A_88 : i32
    %dma_start3A_90 = arith.constant 6 : i32
    %dma_start3A_91 = arith.constant 6 : i32
    %dma_start3A_92 = arith.constant 0 : i32
    %dma_start3A_93 = tpu.memref_slice %arg7[%dma_start3A_90, %dma_start3A_92] : memref<8x64xi32, #tpu.memory_space<vmem>> -> memref<1x64xi32, #tpu.memory_space<vmem>>
    %dma_start3A_94 = tpu.memref_squeeze %dma_start3A_93 : memref<1x64xi32, #tpu.memory_space<vmem>> -> memref<64xi32, #tpu.memory_space<vmem>>
    %dma_start3A_95 = tpu.memref_slice %arg2[%add3A_89] : memref<16384xi32, #tpu.memory_space<hbm>> -> memref<64xi32, #tpu.memory_space<hbm>>
    %dma_start3A_96 = tpu.memref_slice %arg12[%dma_start3A_91] : memref<8x!tpu.dma_semaphore, #tpu.memory_space<semaphore_mem>> -> memref<1x!tpu.dma_semaphore, #tpu.memory_space<semaphore_mem>>
    %dma_start3A_97 = tpu.memref_squeeze %dma_start3A_96 : memref<1x!tpu.dma_semaphore, #tpu.memory_space<semaphore_mem>> -> memref<!tpu.dma_semaphore, #tpu.memory_space<semaphore_mem>>
    %dma_start3A_98 = arith.constant 0 : i32
    %dma_start3A_99 = tpu.memref_slice %arg7[%dma_start3A_90, %dma_start3A_98] : memref<8x64xi32, #tpu.memory_space<vmem>> -> memref<1x64xi32, #tpu.memory_space<vmem>>
    %dma_start3A_100 = tpu.memref_squeeze %dma_start3A_99 : memref<1x64xi32, #tpu.memory_space<vmem>> -> memref<64xi32, #tpu.memory_space<vmem>>
    %dma_start3A_101 = tpu.memref_slice %arg2[%add3A_89] : memref<16384xi32, #tpu.memory_space<hbm>> -> memref<64xi32, #tpu.memory_space<hbm>>
    tpu.enqueue_dma source(%dma_start3A_101 : memref<64xi32, #tpu.memory_space<hbm>>) target(%dma_start3A_100 : memref<64xi32, #tpu.memory_space<vmem>>) target_semaphore(%dma_start3A_97 : memref<!tpu.dma_semaphore, #tpu.memory_space<semaphore_mem>>)
    %add3A_102 = arith.constant 448 : i32
    %add3A_103 = arith.addi %mul3A_2, %add3A_102 : i32
    %dma_start3A_104 = arith.constant 7 : i32
    %dma_start3A_105 = arith.constant 7 : i32
    %dma_start3A_106 = arith.constant 0 : i32
    %dma_start3A_107 = tpu.memref_slice %arg7[%dma_start3A_104, %dma_start3A_106] : memref<8x64xi32, #tpu.memory_space<vmem>> -> memref<1x64xi32, #tpu.memory_space<vmem>>
    %dma_start3A_108 = tpu.memref_squeeze %dma_start3A_107 : memref<1x64xi32, #tpu.memory_space<vmem>> -> memref<64xi32, #tpu.memory_space<vmem>>
    %dma_start3A_109 = tpu.memref_slice %arg2[%add3A_103] : memref<16384xi32, #tpu.memory_space<hbm>> -> memref<64xi32, #tpu.memory_space<hbm>>
    %dma_start3A_110 = tpu.memref_slice %arg12[%dma_start3A_105] : memref<8x!tpu.dma_semaphore, #tpu.memory_space<semaphore_mem>> -> memref<1x!tpu.dma_semaphore, #tpu.memory_space<semaphore_mem>>
    %dma_start3A_111 = tpu.memref_squeeze %dma_start3A_110 : memref<1x!tpu.dma_semaphore, #tpu.memory_space<semaphore_mem>> -> memref<!tpu.dma_semaphore, #tpu.memory_space<semaphore_mem>>
    %dma_start3A_112 = arith.constant 0 : i32
    %dma_start3A_113 = tpu.memref_slice %arg7[%dma_start3A_104, %dma_start3A_112] : memref<8x64xi32, #tpu.memory_space<vmem>> -> memref<1x64xi32, #tpu.memory_space<vmem>>
    %dma_start3A_114 = tpu.memref_squeeze %dma_start3A_113 : memref<1x64xi32, #tpu.memory_space<vmem>> -> memref<64xi32, #tpu.memory_space<vmem>>
    %dma_start3A_115 = tpu.memref_slice %arg2[%add3A_103] : memref<16384xi32, #tpu.memory_space<hbm>> -> memref<64xi32, #tpu.memory_space<hbm>>
    tpu.enqueue_dma source(%dma_start3A_115 : memref<64xi32, #tpu.memory_space<hbm>>) target(%dma_start3A_114 : memref<64xi32, #tpu.memory_space<vmem>>) target_semaphore(%dma_start3A_111 : memref<!tpu.dma_semaphore, #tpu.memory_space<semaphore_mem>>)
    %dma_wait3A = arith.constant 0 : i32
    %dma_wait3A_116 = arith.constant 0 : i32
    %dma_wait3A_117 = arith.constant 0 : i32
    %dma_wait3A_118 = tpu.memref_slice %arg7[%dma_wait3A, %dma_wait3A_117] : memref<8x64xi32, #tpu.memory_space<vmem>> -> memref<1x64xi32, #tpu.memory_space<vmem>>
    %dma_wait3A_119 = tpu.memref_squeeze %dma_wait3A_118 : memref<1x64xi32, #tpu.memory_space<vmem>> -> memref<64xi32, #tpu.memory_space<vmem>>
    %dma_wait3A_120 = tpu.memref_slice %arg2[%mul3A_2] : memref<16384xi32, #tpu.memory_space<hbm>> -> memref<64xi32, #tpu.memory_space<hbm>>
    %dma_wait3A_121 = tpu.memref_slice %arg12[%dma_wait3A_116] : memref<8x!tpu.dma_semaphore, #tpu.memory_space<semaphore_mem>> -> memref<1x!tpu.dma_semaphore, #tpu.memory_space<semaphore_mem>>
    %dma_wait3A_122 = tpu.memref_squeeze %dma_wait3A_121 : memref<1x!tpu.dma_semaphore, #tpu.memory_space<semaphore_mem>> -> memref<!tpu.dma_semaphore, #tpu.memory_space<semaphore_mem>>
    %dma_wait3A_123 = arith.constant 0 : i32
    %dma_wait3A_124 = tpu.memref_slice %arg7[%dma_wait3A, %dma_wait3A_123] : memref<8x64xi32, #tpu.memory_space<vmem>> -> memref<1x64xi32, #tpu.memory_space<vmem>>
    %dma_wait3A_125 = tpu.memref_squeeze %dma_wait3A_124 : memref<1x64xi32, #tpu.memory_space<vmem>> -> memref<64xi32, #tpu.memory_space<vmem>>
    %dma_wait3A_126 = tpu.memref_slice %arg2[%mul3A_2] : memref<16384xi32, #tpu.memory_space<hbm>> -> memref<64xi32, #tpu.memory_space<hbm>>
    tpu.wait_dma2 semaphore(%dma_wait3A_122 : memref<!tpu.dma_semaphore, #tpu.memory_space<semaphore_mem>>) src(%dma_wait3A_126 : memref<64xi32, #tpu.memory_space<hbm>>) dst(%dma_wait3A_125 : memref<64xi32, #tpu.memory_space<vmem>>)
    %dma_start3A_127 = arith.constant 0 : i32
    %dma_start3A_128 = arith.constant 0 : i32
    %dma_start3A_129 = arith.constant 0 : i32
    %dma_start3A_130 = arith.constant 0 : i32
    %dma_start3A_131 = tpu.memref_slice %arg8[%dma_start3A_129, %dma_start3A_130] : memref<512x128xf32, #tpu.memory_space<vmem>> -> memref<64x128xf32, #tpu.memory_space<vmem>>
    %dma_start3A_132 = arith.constant 0 : i32
    %dma_start3A_133 = tpu.memref_slice %arg7[%dma_start3A_127, %dma_start3A_132] : memref<8x64xi32, #tpu.memory_space<vmem>> -> memref<1x64xi32, #tpu.memory_space<vmem>>
    %dma_start3A_134 = tpu.memref_squeeze %dma_start3A_133 : memref<1x64xi32, #tpu.memory_space<vmem>> -> memref<64xi32, #tpu.memory_space<vmem>>
    %dma_start3A_135 = arith.constant 0 : i32
    %dma_start3A_136 = arith.constant 0 : i32
    %dma_start3A_137 = tpu.memref_slice %arg4[%dma_start3A_135, %dma_start3A_136] : memref<100000x128xf32, #tpu.memory_space<hbm>> -> memref<100000x128xf32, #tpu.memory_space<hbm>>
    %dma_start3A_138 = tpu.memref_slice %arg13[%dma_start3A_128] : memref<8x!tpu.dma_semaphore, #tpu.memory_space<semaphore_mem>> -> memref<1x!tpu.dma_semaphore, #tpu.memory_space<semaphore_mem>>
    %dma_start3A_139 = tpu.memref_squeeze %dma_start3A_138 : memref<1x!tpu.dma_semaphore, #tpu.memory_space<semaphore_mem>> -> memref<!tpu.dma_semaphore, #tpu.memory_space<semaphore_mem>>
    tpu.enqueue_indirect_dma source(%dma_start3A_137 : memref<100000x128xf32, #tpu.memory_space<hbm>>) target(%dma_start3A_131 : memref<64x128xf32, #tpu.memory_space<vmem>>) offsets(%dma_start3A_134 : memref<64xi32, #tpu.memory_space<vmem>>) semaphore(%dma_start3A_139 : memref<!tpu.dma_semaphore, #tpu.memory_space<semaphore_mem>>)
    %dma_wait3A_140 = arith.constant 1 : i32
    %dma_wait3A_141 = arith.constant 1 : i32
    %dma_wait3A_142 = arith.constant 0 : i32
    %dma_wait3A_143 = tpu.memref_slice %arg7[%dma_wait3A_140, %dma_wait3A_142] : memref<8x64xi32, #tpu.memory_space<vmem>> -> memref<1x64xi32, #tpu.memory_space<vmem>>
    %dma_wait3A_144 = tpu.memref_squeeze %dma_wait3A_143 : memref<1x64xi32, #tpu.memory_space<vmem>> -> memref<64xi32, #tpu.memory_space<vmem>>
    %dma_wait3A_145 = tpu.memref_slice %arg2[%mul3A_2] : memref<16384xi32, #tpu.memory_space<hbm>> -> memref<64xi32, #tpu.memory_space<hbm>>
    %dma_wait3A_146 = tpu.memref_slice %arg12[%dma_wait3A_141] : memref<8x!tpu.dma_semaphore, #tpu.memory_space<semaphore_mem>> -> memref<1x!tpu.dma_semaphore, #tpu.memory_space<semaphore_mem>>
    %dma_wait3A_147 = tpu.memref_squeeze %dma_wait3A_146 : memref<1x!tpu.dma_semaphore, #tpu.memory_space<semaphore_mem>> -> memref<!tpu.dma_semaphore, #tpu.memory_space<semaphore_mem>>
    %dma_wait3A_148 = arith.constant 0 : i32
    %dma_wait3A_149 = tpu.memref_slice %arg7[%dma_wait3A_140, %dma_wait3A_148] : memref<8x64xi32, #tpu.memory_space<vmem>> -> memref<1x64xi32, #tpu.memory_space<vmem>>
    %dma_wait3A_150 = tpu.memref_squeeze %dma_wait3A_149 : memref<1x64xi32, #tpu.memory_space<vmem>> -> memref<64xi32, #tpu.memory_space<vmem>>
    %dma_wait3A_151 = tpu.memref_slice %arg2[%mul3A_2] : memref<16384xi32, #tpu.memory_space<hbm>> -> memref<64xi32, #tpu.memory_space<hbm>>
    tpu.wait_dma2 semaphore(%dma_wait3A_147 : memref<!tpu.dma_semaphore, #tpu.memory_space<semaphore_mem>>) src(%dma_wait3A_151 : memref<64xi32, #tpu.memory_space<hbm>>) dst(%dma_wait3A_150 : memref<64xi32, #tpu.memory_space<vmem>>)
    %dma_start3A_152 = arith.constant 1 : i32
    %dma_start3A_153 = arith.constant 1 : i32
    %dma_start3A_154 = arith.constant 64 : i32
    %dma_start3A_155 = arith.constant 0 : i32
    %dma_start3A_156 = tpu.memref_slice %arg8[%dma_start3A_154, %dma_start3A_155] : memref<512x128xf32, #tpu.memory_space<vmem>> -> memref<64x128xf32, #tpu.memory_space<vmem>>
    %dma_start3A_157 = arith.constant 0 : i32
    %dma_start3A_158 = tpu.memref_slice %arg7[%dma_start3A_152, %dma_start3A_157] : memref<8x64xi32, #tpu.memory_space<vmem>> -> memref<1x64xi32, #tpu.memory_space<vmem>>
    %dma_start3A_159 = tpu.memref_squeeze %dma_start3A_158 : memref<1x64xi32, #tpu.memory_space<vmem>> -> memref<64xi32, #tpu.memory_space<vmem>>
    %dma_start3A_160 = arith.constant 0 : i32
    %dma_start3A_161 = arith.constant 0 : i32
    %dma_start3A_162 = tpu.memref_slice %arg4[%dma_start3A_160, %dma_start3A_161] : memref<100000x128xf32, #tpu.memory_space<hbm>> -> memref<100000x128xf32, #tpu.memory_space<hbm>>
    %dma_start3A_163 = tpu.memref_slice %arg13[%dma_start3A_153] : memref<8x!tpu.dma_semaphore, #tpu.memory_space<semaphore_mem>> -> memref<1x!tpu.dma_semaphore, #tpu.memory_space<semaphore_mem>>
    %dma_start3A_164 = tpu.memref_squeeze %dma_start3A_163 : memref<1x!tpu.dma_semaphore, #tpu.memory_space<semaphore_mem>> -> memref<!tpu.dma_semaphore, #tpu.memory_space<semaphore_mem>>
    tpu.enqueue_indirect_dma source(%dma_start3A_162 : memref<100000x128xf32, #tpu.memory_space<hbm>>) target(%dma_start3A_156 : memref<64x128xf32, #tpu.memory_space<vmem>>) offsets(%dma_start3A_159 : memref<64xi32, #tpu.memory_space<vmem>>) semaphore(%dma_start3A_164 : memref<!tpu.dma_semaphore, #tpu.memory_space<semaphore_mem>>)
    %dma_wait3A_165 = arith.constant 2 : i32
    %dma_wait3A_166 = arith.constant 2 : i32
    %dma_wait3A_167 = arith.constant 0 : i32
    %dma_wait3A_168 = tpu.memref_slice %arg7[%dma_wait3A_165, %dma_wait3A_167] : memref<8x64xi32, #tpu.memory_space<vmem>> -> memref<1x64xi32, #tpu.memory_space<vmem>>
    %dma_wait3A_169 = tpu.memref_squeeze %dma_wait3A_168 : memref<1x64xi32, #tpu.memory_space<vmem>> -> memref<64xi32, #tpu.memory_space<vmem>>
    %dma_wait3A_170 = tpu.memref_slice %arg2[%mul3A_2] : memref<16384xi32, #tpu.memory_space<hbm>> -> memref<64xi32, #tpu.memory_space<hbm>>
    %dma_wait3A_171 = tpu.memref_slice %arg12[%dma_wait3A_166] : memref<8x!tpu.dma_semaphore, #tpu.memory_space<semaphore_mem>> -> memref<1x!tpu.dma_semaphore, #tpu.memory_space<semaphore_mem>>
    %dma_wait3A_172 = tpu.memref_squeeze %dma_wait3A_171 : memref<1x!tpu.dma_semaphore, #tpu.memory_space<semaphore_mem>> -> memref<!tpu.dma_semaphore, #tpu.memory_space<semaphore_mem>>
    %dma_wait3A_173 = arith.constant 0 : i32
    %dma_wait3A_174 = tpu.memref_slice %arg7[%dma_wait3A_165, %dma_wait3A_173] : memref<8x64xi32, #tpu.memory_space<vmem>> -> memref<1x64xi32, #tpu.memory_space<vmem>>
    %dma_wait3A_175 = tpu.memref_squeeze %dma_wait3A_174 : memref<1x64xi32, #tpu.memory_space<vmem>> -> memref<64xi32, #tpu.memory_space<vmem>>
    %dma_wait3A_176 = tpu.memref_slice %arg2[%mul3A_2] : memref<16384xi32, #tpu.memory_space<hbm>> -> memref<64xi32, #tpu.memory_space<hbm>>
    tpu.wait_dma2 semaphore(%dma_wait3A_172 : memref<!tpu.dma_semaphore, #tpu.memory_space<semaphore_mem>>) src(%dma_wait3A_176 : memref<64xi32, #tpu.memory_space<hbm>>) dst(%dma_wait3A_175 : memref<64xi32, #tpu.memory_space<vmem>>)
    %dma_start3A_177 = arith.constant 2 : i32
    %dma_start3A_178 = arith.constant 2 : i32
    %dma_start3A_179 = arith.constant 128 : i32
    %dma_start3A_180 = arith.constant 0 : i32
    %dma_start3A_181 = tpu.memref_slice %arg8[%dma_start3A_179, %dma_start3A_180] : memref<512x128xf32, #tpu.memory_space<vmem>> -> memref<64x128xf32, #tpu.memory_space<vmem>>
    %dma_start3A_182 = arith.constant 0 : i32
    %dma_start3A_183 = tpu.memref_slice %arg7[%dma_start3A_177, %dma_start3A_182] : memref<8x64xi32, #tpu.memory_space<vmem>> -> memref<1x64xi32, #tpu.memory_space<vmem>>
    %dma_start3A_184 = tpu.memref_squeeze %dma_start3A_183 : memref<1x64xi32, #tpu.memory_space<vmem>> -> memref<64xi32, #tpu.memory_space<vmem>>
    %dma_start3A_185 = arith.constant 0 : i32
    %dma_start3A_186 = arith.constant 0 : i32
    %dma_start3A_187 = tpu.memref_slice %arg4[%dma_start3A_185, %dma_start3A_186] : memref<100000x128xf32, #tpu.memory_space<hbm>> -> memref<100000x128xf32, #tpu.memory_space<hbm>>
    %dma_start3A_188 = tpu.memref_slice %arg13[%dma_start3A_178] : memref<8x!tpu.dma_semaphore, #tpu.memory_space<semaphore_mem>> -> memref<1x!tpu.dma_semaphore, #tpu.memory_space<semaphore_mem>>
    %dma_start3A_189 = tpu.memref_squeeze %dma_start3A_188 : memref<1x!tpu.dma_semaphore, #tpu.memory_space<semaphore_mem>> -> memref<!tpu.dma_semaphore, #tpu.memory_space<semaphore_mem>>
    tpu.enqueue_indirect_dma source(%dma_start3A_187 : memref<100000x128xf32, #tpu.memory_space<hbm>>) target(%dma_start3A_181 : memref<64x128xf32, #tpu.memory_space<vmem>>) offsets(%dma_start3A_184 : memref<64xi32, #tpu.memory_space<vmem>>) semaphore(%dma_start3A_189 : memref<!tpu.dma_semaphore, #tpu.memory_space<semaphore_mem>>)
    %dma_wait3A_190 = arith.constant 3 : i32
    %dma_wait3A_191 = arith.constant 3 : i32
    %dma_wait3A_192 = arith.constant 0 : i32
    %dma_wait3A_193 = tpu.memref_slice %arg7[%dma_wait3A_190, %dma_wait3A_192] : memref<8x64xi32, #tpu.memory_space<vmem>> -> memref<1x64xi32, #tpu.memory_space<vmem>>
    %dma_wait3A_194 = tpu.memref_squeeze %dma_wait3A_193 : memref<1x64xi32, #tpu.memory_space<vmem>> -> memref<64xi32, #tpu.memory_space<vmem>>
    %dma_wait3A_195 = tpu.memref_slice %arg2[%mul3A_2] : memref<16384xi32, #tpu.memory_space<hbm>> -> memref<64xi32, #tpu.memory_space<hbm>>
    %dma_wait3A_196 = tpu.memref_slice %arg12[%dma_wait3A_191] : memref<8x!tpu.dma_semaphore, #tpu.memory_space<semaphore_mem>> -> memref<1x!tpu.dma_semaphore, #tpu.memory_space<semaphore_mem>>
    %dma_wait3A_197 = tpu.memref_squeeze %dma_wait3A_196 : memref<1x!tpu.dma_semaphore, #tpu.memory_space<semaphore_mem>> -> memref<!tpu.dma_semaphore, #tpu.memory_space<semaphore_mem>>
    %dma_wait3A_198 = arith.constant 0 : i32
    %dma_wait3A_199 = tpu.memref_slice %arg7[%dma_wait3A_190, %dma_wait3A_198] : memref<8x64xi32, #tpu.memory_space<vmem>> -> memref<1x64xi32, #tpu.memory_space<vmem>>
    %dma_wait3A_200 = tpu.memref_squeeze %dma_wait3A_199 : memref<1x64xi32, #tpu.memory_space<vmem>> -> memref<64xi32, #tpu.memory_space<vmem>>
    %dma_wait3A_201 = tpu.memref_slice %arg2[%mul3A_2] : memref<16384xi32, #tpu.memory_space<hbm>> -> memref<64xi32, #tpu.memory_space<hbm>>
    tpu.wait_dma2 semaphore(%dma_wait3A_197 : memref<!tpu.dma_semaphore, #tpu.memory_space<semaphore_mem>>) src(%dma_wait3A_201 : memref<64xi32, #tpu.memory_space<hbm>>) dst(%dma_wait3A_200 : memref<64xi32, #tpu.memory_space<vmem>>)
    %dma_start3A_202 = arith.constant 3 : i32
    %dma_start3A_203 = arith.constant 3 : i32
    %dma_start3A_204 = arith.constant 192 : i32
    %dma_start3A_205 = arith.constant 0 : i32
    %dma_start3A_206 = tpu.memref_slice %arg8[%dma_start3A_204, %dma_start3A_205] : memref<512x128xf32, #tpu.memory_space<vmem>> -> memref<64x128xf32, #tpu.memory_space<vmem>>
    %dma_start3A_207 = arith.constant 0 : i32
    %dma_start3A_208 = tpu.memref_slice %arg7[%dma_start3A_202, %dma_start3A_207] : memref<8x64xi32, #tpu.memory_space<vmem>> -> memref<1x64xi32, #tpu.memory_space<vmem>>
    %dma_start3A_209 = tpu.memref_squeeze %dma_start3A_208 : memref<1x64xi32, #tpu.memory_space<vmem>> -> memref<64xi32, #tpu.memory_space<vmem>>
    %dma_start3A_210 = arith.constant 0 : i32
    %dma_start3A_211 = arith.constant 0 : i32
    %dma_start3A_212 = tpu.memref_slice %arg4[%dma_start3A_210, %dma_start3A_211] : memref<100000x128xf32, #tpu.memory_space<hbm>> -> memref<100000x128xf32, #tpu.memory_space<hbm>>
    %dma_start3A_213 = tpu.memref_slice %arg13[%dma_start3A_203] : memref<8x!tpu.dma_semaphore, #tpu.memory_space<semaphore_mem>> -> memref<1x!tpu.dma_semaphore, #tpu.memory_space<semaphore_mem>>
    %dma_start3A_214 = tpu.memref_squeeze %dma_start3A_213 : memref<1x!tpu.dma_semaphore, #tpu.memory_space<semaphore_mem>> -> memref<!tpu.dma_semaphore, #tpu.memory_space<semaphore_mem>>
    tpu.enqueue_indirect_dma source(%dma_start3A_212 : memref<100000x128xf32, #tpu.memory_space<hbm>>) target(%dma_start3A_206 : memref<64x128xf32, #tpu.memory_space<vmem>>) offsets(%dma_start3A_209 : memref<64xi32, #tpu.memory_space<vmem>>) semaphore(%dma_start3A_214 : memref<!tpu.dma_semaphore, #tpu.memory_space<semaphore_mem>>)
    %dma_wait3A_215 = arith.constant 4 : i32
    %dma_wait3A_216 = arith.constant 4 : i32
    %dma_wait3A_217 = arith.constant 0 : i32
    %dma_wait3A_218 = tpu.memref_slice %arg7[%dma_wait3A_215, %dma_wait3A_217] : memref<8x64xi32, #tpu.memory_space<vmem>> -> memref<1x64xi32, #tpu.memory_space<vmem>>
    %dma_wait3A_219 = tpu.memref_squeeze %dma_wait3A_218 : memref<1x64xi32, #tpu.memory_space<vmem>> -> memref<64xi32, #tpu.memory_space<vmem>>
    %dma_wait3A_220 = tpu.memref_slice %arg2[%mul3A_2] : memref<16384xi32, #tpu.memory_space<hbm>> -> memref<64xi32, #tpu.memory_space<hbm>>
    %dma_wait3A_221 = tpu.memref_slice %arg12[%dma_wait3A_216] : memref<8x!tpu.dma_semaphore, #tpu.memory_space<semaphore_mem>> -> memref<1x!tpu.dma_semaphore, #tpu.memory_space<semaphore_mem>>
    %dma_wait3A_222 = tpu.memref_squeeze %dma_wait3A_221 : memref<1x!tpu.dma_semaphore, #tpu.memory_space<semaphore_mem>> -> memref<!tpu.dma_semaphore, #tpu.memory_space<semaphore_mem>>
    %dma_wait3A_223 = arith.constant 0 : i32
    %dma_wait3A_224 = tpu.memref_slice %arg7[%dma_wait3A_215, %dma_wait3A_223] : memref<8x64xi32, #tpu.memory_space<vmem>> -> memref<1x64xi32, #tpu.memory_space<vmem>>
    %dma_wait3A_225 = tpu.memref_squeeze %dma_wait3A_224 : memref<1x64xi32, #tpu.memory_space<vmem>> -> memref<64xi32, #tpu.memory_space<vmem>>
    %dma_wait3A_226 = tpu.memref_slice %arg2[%mul3A_2] : memref<16384xi32, #tpu.memory_space<hbm>> -> memref<64xi32, #tpu.memory_space<hbm>>
    tpu.wait_dma2 semaphore(%dma_wait3A_222 : memref<!tpu.dma_semaphore, #tpu.memory_space<semaphore_mem>>) src(%dma_wait3A_226 : memref<64xi32, #tpu.memory_space<hbm>>) dst(%dma_wait3A_225 : memref<64xi32, #tpu.memory_space<vmem>>)
    %dma_start3A_227 = arith.constant 4 : i32
    %dma_start3A_228 = arith.constant 4 : i32
    %dma_start3A_229 = arith.constant 256 : i32
    %dma_start3A_230 = arith.constant 0 : i32
    %dma_start3A_231 = tpu.memref_slice %arg8[%dma_start3A_229, %dma_start3A_230] : memref<512x128xf32, #tpu.memory_space<vmem>> -> memref<64x128xf32, #tpu.memory_space<vmem>>
    %dma_start3A_232 = arith.constant 0 : i32
    %dma_start3A_233 = tpu.memref_slice %arg7[%dma_start3A_227, %dma_start3A_232] : memref<8x64xi32, #tpu.memory_space<vmem>> -> memref<1x64xi32, #tpu.memory_space<vmem>>
    %dma_start3A_234 = tpu.memref_squeeze %dma_start3A_233 : memref<1x64xi32, #tpu.memory_space<vmem>> -> memref<64xi32, #tpu.memory_space<vmem>>
    %dma_start3A_235 = arith.constant 0 : i32
    %dma_start3A_236 = arith.constant 0 : i32
    %dma_start3A_237 = tpu.memref_slice %arg4[%dma_start3A_235, %dma_start3A_236] : memref<100000x128xf32, #tpu.memory_space<hbm>> -> memref<100000x128xf32, #tpu.memory_space<hbm>>
    %dma_start3A_238 = tpu.memref_slice %arg13[%dma_start3A_228] : memref<8x!tpu.dma_semaphore, #tpu.memory_space<semaphore_mem>> -> memref<1x!tpu.dma_semaphore, #tpu.memory_space<semaphore_mem>>
    %dma_start3A_239 = tpu.memref_squeeze %dma_start3A_238 : memref<1x!tpu.dma_semaphore, #tpu.memory_space<semaphore_mem>> -> memref<!tpu.dma_semaphore, #tpu.memory_space<semaphore_mem>>
    tpu.enqueue_indirect_dma source(%dma_start3A_237 : memref<100000x128xf32, #tpu.memory_space<hbm>>) target(%dma_start3A_231 : memref<64x128xf32, #tpu.memory_space<vmem>>) offsets(%dma_start3A_234 : memref<64xi32, #tpu.memory_space<vmem>>) semaphore(%dma_start3A_239 : memref<!tpu.dma_semaphore, #tpu.memory_space<semaphore_mem>>)
    %dma_wait3A_240 = arith.constant 5 : i32
    %dma_wait3A_241 = arith.constant 5 : i32
    %dma_wait3A_242 = arith.constant 0 : i32
    %dma_wait3A_243 = tpu.memref_slice %arg7[%dma_wait3A_240, %dma_wait3A_242] : memref<8x64xi32, #tpu.memory_space<vmem>> -> memref<1x64xi32, #tpu.memory_space<vmem>>
    %dma_wait3A_244 = tpu.memref_squeeze %dma_wait3A_243 : memref<1x64xi32, #tpu.memory_space<vmem>> -> memref<64xi32, #tpu.memory_space<vmem>>
    %dma_wait3A_245 = tpu.memref_slice %arg2[%mul3A_2] : memref<16384xi32, #tpu.memory_space<hbm>> -> memref<64xi32, #tpu.memory_space<hbm>>
    %dma_wait3A_246 = tpu.memref_slice %arg12[%dma_wait3A_241] : memref<8x!tpu.dma_semaphore, #tpu.memory_space<semaphore_mem>> -> memref<1x!tpu.dma_semaphore, #tpu.memory_space<semaphore_mem>>
    %dma_wait3A_247 = tpu.memref_squeeze %dma_wait3A_246 : memref<1x!tpu.dma_semaphore, #tpu.memory_space<semaphore_mem>> -> memref<!tpu.dma_semaphore, #tpu.memory_space<semaphore_mem>>
    %dma_wait3A_248 = arith.constant 0 : i32
    %dma_wait3A_249 = tpu.memref_slice %arg7[%dma_wait3A_240, %dma_wait3A_248] : memref<8x64xi32, #tpu.memory_space<vmem>> -> memref<1x64xi32, #tpu.memory_space<vmem>>
    %dma_wait3A_250 = tpu.memref_squeeze %dma_wait3A_249 : memref<1x64xi32, #tpu.memory_space<vmem>> -> memref<64xi32, #tpu.memory_space<vmem>>
    %dma_wait3A_251 = tpu.memref_slice %arg2[%mul3A_2] : memref<16384xi32, #tpu.memory_space<hbm>> -> memref<64xi32, #tpu.memory_space<hbm>>
    tpu.wait_dma2 semaphore(%dma_wait3A_247 : memref<!tpu.dma_semaphore, #tpu.memory_space<semaphore_mem>>) src(%dma_wait3A_251 : memref<64xi32, #tpu.memory_space<hbm>>) dst(%dma_wait3A_250 : memref<64xi32, #tpu.memory_space<vmem>>)
    %dma_start3A_252 = arith.constant 5 : i32
    %dma_start3A_253 = arith.constant 5 : i32
    %dma_start3A_254 = arith.constant 320 : i32
    %dma_start3A_255 = arith.constant 0 : i32
    %dma_start3A_256 = tpu.memref_slice %arg8[%dma_start3A_254, %dma_start3A_255] : memref<512x128xf32, #tpu.memory_space<vmem>> -> memref<64x128xf32, #tpu.memory_space<vmem>>
    %dma_start3A_257 = arith.constant 0 : i32
    %dma_start3A_258 = tpu.memref_slice %arg7[%dma_start3A_252, %dma_start3A_257] : memref<8x64xi32, #tpu.memory_space<vmem>> -> memref<1x64xi32, #tpu.memory_space<vmem>>
    %dma_start3A_259 = tpu.memref_squeeze %dma_start3A_258 : memref<1x64xi32, #tpu.memory_space<vmem>> -> memref<64xi32, #tpu.memory_space<vmem>>
    %dma_start3A_260 = arith.constant 0 : i32
    %dma_start3A_261 = arith.constant 0 : i32
    %dma_start3A_262 = tpu.memref_slice %arg4[%dma_start3A_260, %dma_start3A_261] : memref<100000x128xf32, #tpu.memory_space<hbm>> -> memref<100000x128xf32, #tpu.memory_space<hbm>>
    %dma_start3A_263 = tpu.memref_slice %arg13[%dma_start3A_253] : memref<8x!tpu.dma_semaphore, #tpu.memory_space<semaphore_mem>> -> memref<1x!tpu.dma_semaphore, #tpu.memory_space<semaphore_mem>>
    %dma_start3A_264 = tpu.memref_squeeze %dma_start3A_263 : memref<1x!tpu.dma_semaphore, #tpu.memory_space<semaphore_mem>> -> memref<!tpu.dma_semaphore, #tpu.memory_space<semaphore_mem>>
    tpu.enqueue_indirect_dma source(%dma_start3A_262 : memref<100000x128xf32, #tpu.memory_space<hbm>>) target(%dma_start3A_256 : memref<64x128xf32, #tpu.memory_space<vmem>>) offsets(%dma_start3A_259 : memref<64xi32, #tpu.memory_space<vmem>>) semaphore(%dma_start3A_264 : memref<!tpu.dma_semaphore, #tpu.memory_space<semaphore_mem>>)
    %dma_wait3A_265 = arith.constant 6 : i32
    %dma_wait3A_266 = arith.constant 6 : i32
    %dma_wait3A_267 = arith.constant 0 : i32
    %dma_wait3A_268 = tpu.memref_slice %arg7[%dma_wait3A_265, %dma_wait3A_267] : memref<8x64xi32, #tpu.memory_space<vmem>> -> memref<1x64xi32, #tpu.memory_space<vmem>>
    %dma_wait3A_269 = tpu.memref_squeeze %dma_wait3A_268 : memref<1x64xi32, #tpu.memory_space<vmem>> -> memref<64xi32, #tpu.memory_space<vmem>>
    %dma_wait3A_270 = tpu.memref_slice %arg2[%mul3A_2] : memref<16384xi32, #tpu.memory_space<hbm>> -> memref<64xi32, #tpu.memory_space<hbm>>
    %dma_wait3A_271 = tpu.memref_slice %arg12[%dma_wait3A_266] : memref<8x!tpu.dma_semaphore, #tpu.memory_space<semaphore_mem>> -> memref<1x!tpu.dma_semaphore, #tpu.memory_space<semaphore_mem>>
    %dma_wait3A_272 = tpu.memref_squeeze %dma_wait3A_271 : memref<1x!tpu.dma_semaphore, #tpu.memory_space<semaphore_mem>> -> memref<!tpu.dma_semaphore, #tpu.memory_space<semaphore_mem>>
    %dma_wait3A_273 = arith.constant 0 : i32
    %dma_wait3A_274 = tpu.memref_slice %arg7[%dma_wait3A_265, %dma_wait3A_273] : memref<8x64xi32, #tpu.memory_space<vmem>> -> memref<1x64xi32, #tpu.memory_space<vmem>>
    %dma_wait3A_275 = tpu.memref_squeeze %dma_wait3A_274 : memref<1x64xi32, #tpu.memory_space<vmem>> -> memref<64xi32, #tpu.memory_space<vmem>>
    %dma_wait3A_276 = tpu.memref_slice %arg2[%mul3A_2] : memref<16384xi32, #tpu.memory_space<hbm>> -> memref<64xi32, #tpu.memory_space<hbm>>
    tpu.wait_dma2 semaphore(%dma_wait3A_272 : memref<!tpu.dma_semaphore, #tpu.memory_space<semaphore_mem>>) src(%dma_wait3A_276 : memref<64xi32, #tpu.memory_space<hbm>>) dst(%dma_wait3A_275 : memref<64xi32, #tpu.memory_space<vmem>>)
    %dma_start3A_277 = arith.constant 6 : i32
    %dma_start3A_278 = arith.constant 6 : i32
    %dma_start3A_279 = arith.constant 384 : i32
    %dma_start3A_280 = arith.constant 0 : i32
    %dma_start3A_281 = tpu.memref_slice %arg8[%dma_start3A_279, %dma_start3A_280] : memref<512x128xf32, #tpu.memory_space<vmem>> -> memref<64x128xf32, #tpu.memory_space<vmem>>
    %dma_start3A_282 = arith.constant 0 : i32
    %dma_start3A_283 = tpu.memref_slice %arg7[%dma_start3A_277, %dma_start3A_282] : memref<8x64xi32, #tpu.memory_space<vmem>> -> memref<1x64xi32, #tpu.memory_space<vmem>>
    %dma_start3A_284 = tpu.memref_squeeze %dma_start3A_283 : memref<1x64xi32, #tpu.memory_space<vmem>> -> memref<64xi32, #tpu.memory_space<vmem>>
    %dma_start3A_285 = arith.constant 0 : i32
    %dma_start3A_286 = arith.constant 0 : i32
    %dma_start3A_287 = tpu.memref_slice %arg4[%dma_start3A_285, %dma_start3A_286] : memref<100000x128xf32, #tpu.memory_space<hbm>> -> memref<100000x128xf32, #tpu.memory_space<hbm>>
    %dma_start3A_288 = tpu.memref_slice %arg13[%dma_start3A_278] : memref<8x!tpu.dma_semaphore, #tpu.memory_space<semaphore_mem>> -> memref<1x!tpu.dma_semaphore, #tpu.memory_space<semaphore_mem>>
    %dma_start3A_289 = tpu.memref_squeeze %dma_start3A_288 : memref<1x!tpu.dma_semaphore, #tpu.memory_space<semaphore_mem>> -> memref<!tpu.dma_semaphore, #tpu.memory_space<semaphore_mem>>
    tpu.enqueue_indirect_dma source(%dma_start3A_287 : memref<100000x128xf32, #tpu.memory_space<hbm>>) target(%dma_start3A_281 : memref<64x128xf32, #tpu.memory_space<vmem>>) offsets(%dma_start3A_284 : memref<64xi32, #tpu.memory_space<vmem>>) semaphore(%dma_start3A_289 : memref<!tpu.dma_semaphore, #tpu.memory_space<semaphore_mem>>)
    %dma_wait3A_290 = arith.constant 7 : i32
    %dma_wait3A_291 = arith.constant 7 : i32
    %dma_wait3A_292 = arith.constant 0 : i32
    %dma_wait3A_293 = tpu.memref_slice %arg7[%dma_wait3A_290, %dma_wait3A_292] : memref<8x64xi32, #tpu.memory_space<vmem>> -> memref<1x64xi32, #tpu.memory_space<vmem>>
    %dma_wait3A_294 = tpu.memref_squeeze %dma_wait3A_293 : memref<1x64xi32, #tpu.memory_space<vmem>> -> memref<64xi32, #tpu.memory_space<vmem>>
    %dma_wait3A_295 = tpu.memref_slice %arg2[%mul3A_2] : memref<16384xi32, #tpu.memory_space<hbm>> -> memref<64xi32, #tpu.memory_space<hbm>>
    %dma_wait3A_296 = tpu.memref_slice %arg12[%dma_wait3A_291] : memref<8x!tpu.dma_semaphore, #tpu.memory_space<semaphore_mem>> -> memref<1x!tpu.dma_semaphore, #tpu.memory_space<semaphore_mem>>
    %dma_wait3A_297 = tpu.memref_squeeze %dma_wait3A_296 : memref<1x!tpu.dma_semaphore, #tpu.memory_space<semaphore_mem>> -> memref<!tpu.dma_semaphore, #tpu.memory_space<semaphore_mem>>
    %dma_wait3A_298 = arith.constant 0 : i32
    %dma_wait3A_299 = tpu.memref_slice %arg7[%dma_wait3A_290, %dma_wait3A_298] : memref<8x64xi32, #tpu.memory_space<vmem>> -> memref<1x64xi32, #tpu.memory_space<vmem>>
    %dma_wait3A_300 = tpu.memref_squeeze %dma_wait3A_299 : memref<1x64xi32, #tpu.memory_space<vmem>> -> memref<64xi32, #tpu.memory_space<vmem>>
    %dma_wait3A_301 = tpu.memref_slice %arg2[%mul3A_2] : memref<16384xi32, #tpu.memory_space<hbm>> -> memref<64xi32, #tpu.memory_space<hbm>>
    tpu.wait_dma2 semaphore(%dma_wait3A_297 : memref<!tpu.dma_semaphore, #tpu.memory_space<semaphore_mem>>) src(%dma_wait3A_301 : memref<64xi32, #tpu.memory_space<hbm>>) dst(%dma_wait3A_300 : memref<64xi32, #tpu.memory_space<vmem>>)
    %dma_start3A_302 = arith.constant 7 : i32
    %dma_start3A_303 = arith.constant 7 : i32
    %dma_start3A_304 = arith.constant 448 : i32
    %dma_start3A_305 = arith.constant 0 : i32
    %dma_start3A_306 = tpu.memref_slice %arg8[%dma_start3A_304, %dma_start3A_305] : memref<512x128xf32, #tpu.memory_space<vmem>> -> memref<64x128xf32, #tpu.memory_space<vmem>>
    %dma_start3A_307 = arith.constant 0 : i32
    %dma_start3A_308 = tpu.memref_slice %arg7[%dma_start3A_302, %dma_start3A_307] : memref<8x64xi32, #tpu.memory_space<vmem>> -> memref<1x64xi32, #tpu.memory_space<vmem>>
    %dma_start3A_309 = tpu.memref_squeeze %dma_start3A_308 : memref<1x64xi32, #tpu.memory_space<vmem>> -> memref<64xi32, #tpu.memory_space<vmem>>
    %dma_start3A_310 = arith.constant 0 : i32
    %dma_start3A_311 = arith.constant 0 : i32
    %dma_start3A_312 = tpu.memref_slice %arg4[%dma_start3A_310, %dma_start3A_311] : memref<100000x128xf32, #tpu.memory_space<hbm>> -> memref<100000x128xf32, #tpu.memory_space<hbm>>
    %dma_start3A_313 = tpu.memref_slice %arg13[%dma_start3A_303] : memref<8x!tpu.dma_semaphore, #tpu.memory_space<semaphore_mem>> -> memref<1x!tpu.dma_semaphore, #tpu.memory_space<semaphore_mem>>
    %dma_start3A_314 = tpu.memref_squeeze %dma_start3A_313 : memref<1x!tpu.dma_semaphore, #tpu.memory_space<semaphore_mem>> -> memref<!tpu.dma_semaphore, #tpu.memory_space<semaphore_mem>>
    tpu.enqueue_indirect_dma source(%dma_start3A_312 : memref<100000x128xf32, #tpu.memory_space<hbm>>) target(%dma_start3A_306 : memref<64x128xf32, #tpu.memory_space<vmem>>) offsets(%dma_start3A_309 : memref<64xi32, #tpu.memory_space<vmem>>) semaphore(%dma_start3A_314 : memref<!tpu.dma_semaphore, #tpu.memory_space<semaphore_mem>>)
    %eq3A_315 = arith.constant 0 : i32
    %eq3A_316 = arith.cmpi eq, %add3A, %eq3A_315 : i32
    %convert_element_type3A_317 = arith.extui %eq3A_316 : i1 to i32
    %cond3A_318 = arith.constant 0 : i32
    %cond3A_319 = arith.cmpi ne, %convert_element_type3A_317, %cond3A_318 : i32
    scf.if %cond3A_319 {
      tpu.wait_dma2 semaphore(%arg14 : memref<!tpu.dma_semaphore, #tpu.memory_space<semaphore_mem>>) src(%arg3 : memref<1xi32, #tpu.memory_space<hbm>>) dst(%arg10 : memref<1xi32, #tpu.memory_space<vmem>>)
      %dma_start3A_381 = arith.constant 0 : i32
      %dma_start3A_382 = arith.constant 0 : i32
      %dma_start3A_383 = tpu.memref_slice %arg4[%dma_start3A_381, %dma_start3A_382] : memref<100000x128xf32, #tpu.memory_space<hbm>> -> memref<100000x128xf32, #tpu.memory_space<hbm>>
      tpu.enqueue_indirect_dma source(%dma_start3A_383 : memref<100000x128xf32, #tpu.memory_space<hbm>>) target(%arg11 : memref<1x128xf32, #tpu.memory_space<vmem>>) offsets(%arg10 : memref<1xi32, #tpu.memory_space<vmem>>) semaphore(%arg14 : memref<!tpu.dma_semaphore, #tpu.memory_space<semaphore_mem>>)
    } else {
    }
    %broadcast_in_dim3A = arith.constant 0.000000e+00 : f32
    %broadcast_in_dim3A_320 = vector.broadcast %broadcast_in_dim3A : f32 to vector<16xf32>
    %broadcast_in_dim3A_321 = arith.constant 0.000000e+00 : f32
    %broadcast_in_dim3A_322 = vector.broadcast %broadcast_in_dim3A_321 : f32 to vector<16xf32>
    %broadcast_in_dim3A_323 = arith.constant 0.000000e+00 : f32
    %broadcast_in_dim3A_324 = vector.broadcast %broadcast_in_dim3A_323 : f32 to vector<16xf32>
    %broadcast_in_dim3A_325 = arith.constant 0.000000e+00 : f32
    %broadcast_in_dim3A_326 = vector.broadcast %broadcast_in_dim3A_325 : f32 to vector<16xf32>
    %broadcast_in_dim3A_327 = arith.constant 0.000000e+00 : f32
    %broadcast_in_dim3A_328 = vector.broadcast %broadcast_in_dim3A_327 : f32 to vector<16xf32>
    %broadcast_in_dim3A_329 = arith.constant 0.000000e+00 : f32
    %broadcast_in_dim3A_330 = vector.broadcast %broadcast_in_dim3A_329 : f32 to vector<16xf32>
    %broadcast_in_dim3A_331 = arith.constant 0.000000e+00 : f32
    %broadcast_in_dim3A_332 = vector.broadcast %broadcast_in_dim3A_331 : f32 to vector<16xf32>
    %broadcast_in_dim3A_333 = arith.constant 0.000000e+00 : f32
    %broadcast_in_dim3A_334 = vector.broadcast %broadcast_in_dim3A_333 : f32 to vector<16xf32>
    %scan3A = arith.constant 0 : i32
    %scan3A_335 = arith.constant 8 : i32
    %scan3A_336 = arith.addi %scan3A, %scan3A_335 : i32
    %scan3A_337 = arith.constant 1 : i32
    %scan3A_338:8 = scf.for %scan3A_381 = %scan3A to %scan3A_336 step %scan3A_337 iter_args(%scan3A_382 = %broadcast_in_dim3A_320, %scan3A_383 = %broadcast_in_dim3A_322, %scan3A_384 = %broadcast_in_dim3A_324, %scan3A_385 = %broadcast_in_dim3A_326, %scan3A_386 = %broadcast_in_dim3A_328, %scan3A_387 = %broadcast_in_dim3A_330, %scan3A_388 = %broadcast_in_dim3A_332, %scan3A_389 = %broadcast_in_dim3A_334) -> (vector<16xf32>, vector<16xf32>, vector<16xf32>, vector<16xf32>, vector<16xf32>, vector<16xf32>, vector<16xf32>, vector<16xf32>)  : i32 {
      %dma_wait3A_390 = arith.constant 0 : i32
      %dma_wait3A_391 = arith.constant 0 : i32
      %dma_wait3A_392 = arith.constant 0 : i32
      %dma_wait3A_393 = tpu.memref_slice %arg8[%dma_wait3A_391, %dma_wait3A_392] : memref<512x128xf32, #tpu.memory_space<vmem>> -> memref<64x128xf32, #tpu.memory_space<vmem>>
      %dma_wait3A_394 = arith.constant 0 : i32
      %dma_wait3A_395 = tpu.memref_slice %arg7[%dma_wait3A_390, %dma_wait3A_394] : memref<8x64xi32, #tpu.memory_space<vmem>> -> memref<1x64xi32, #tpu.memory_space<vmem>>
      %dma_wait3A_396 = tpu.memref_squeeze %dma_wait3A_395 : memref<1x64xi32, #tpu.memory_space<vmem>> -> memref<64xi32, #tpu.memory_space<vmem>>
      %dma_wait3A_397 = arith.constant 0 : i32
      %dma_wait3A_398 = arith.constant 0 : i32
      %dma_wait3A_399 = tpu.memref_slice %arg4[%dma_wait3A_397, %dma_wait3A_398] : memref<100000x128xf32, #tpu.memory_space<hbm>> -> memref<100000x128xf32, #tpu.memory_space<hbm>>
      %dma_wait3A_400 = tpu.memref_slice %arg13[%scan3A_381] : memref<8x!tpu.dma_semaphore, #tpu.memory_space<semaphore_mem>> -> memref<1x!tpu.dma_semaphore, #tpu.memory_space<semaphore_mem>>
      %dma_wait3A_401 = tpu.memref_squeeze %dma_wait3A_400 : memref<1x!tpu.dma_semaphore, #tpu.memory_space<semaphore_mem>> -> memref<!tpu.dma_semaphore, #tpu.memory_space<semaphore_mem>>
      tpu.wait_indirect_dma semaphore(%dma_wait3A_401 : memref<!tpu.dma_semaphore, #tpu.memory_space<semaphore_mem>>) src(%dma_wait3A_399 : memref<100000x128xf32, #tpu.memory_space<hbm>>) dst(%dma_wait3A_393 : memref<64x128xf32, #tpu.memory_space<vmem>>)
      %parallel_loop3A = arith.constant 0 : i32
      %parallel_loop3A_402 = arith.constant 64 : i32
      %parallel_loop3A_403 = arith.constant 1 : i32
      %parallel_loop3A_404:8 = scf.for %parallel_loop3A_405 = %parallel_loop3A to %parallel_loop3A_402 step %parallel_loop3A_403 iter_args(%parallel_loop3A_406 = %scan3A_382, %parallel_loop3A_407 = %scan3A_383, %parallel_loop3A_408 = %scan3A_384, %parallel_loop3A_409 = %scan3A_385, %parallel_loop3A_410 = %scan3A_386, %parallel_loop3A_411 = %scan3A_387, %parallel_loop3A_412 = %scan3A_388, %parallel_loop3A_413 = %scan3A_389) -> (vector<16xf32>, vector<16xf32>, vector<16xf32>, vector<16xf32>, vector<16xf32>, vector<16xf32>, vector<16xf32>, vector<16xf32>)  : i32 {
        %parallel_loop3A_414 = arith.constant 64 : i32
        %parallel_loop3A_415 = arith.muli %scan3A_381, %parallel_loop3A_414 : i32
        %parallel_loop3A_416 = arith.addi %parallel_loop3A_415, %parallel_loop3A_405 : i32
        %parallel_loop3A_417 = arith.index_cast %parallel_loop3A_416 : i32 to index
        %parallel_loop3A_418 = arith.constant 0 : index
        %parallel_loop3A_419 = tpu.vector_load %arg8[%parallel_loop3A_417, %parallel_loop3A_418] {strides = array<i32>} : memref<512x128xf32, #tpu.memory_space<vmem>>, vector<1x16xf32>,
        %parallel_loop3A_420 = vector.shape_cast %parallel_loop3A_419 : vector<1x16xf32> to vector<16xf32>
        %parallel_loop3A_421 = arith.addf %parallel_loop3A_406, %parallel_loop3A_420 : vector<16xf32>
        %parallel_loop3A_422 = arith.constant 64 : i32
        %parallel_loop3A_423 = arith.muli %scan3A_381, %parallel_loop3A_422 : i32
        %parallel_loop3A_424 = arith.addi %parallel_loop3A_423, %parallel_loop3A_405 : i32
        %parallel_loop3A_425 = arith.index_cast %parallel_loop3A_424 : i32 to index
        %parallel_loop3A_426 = arith.constant 16 : index
        %parallel_loop3A_427 = tpu.vector_load %arg8[%parallel_loop3A_425, %parallel_loop3A_426] {strides = array<i32>} : memref<512x128xf32, #tpu.memory_space<vmem>>, vector<1x16xf32>,
        %parallel_loop3A_428 = vector.shape_cast %parallel_loop3A_427 : vector<1x16xf32> to vector<16xf32>
        %parallel_loop3A_429 = arith.addf %parallel_loop3A_407, %parallel_loop3A_428 : vector<16xf32>
        %parallel_loop3A_430 = arith.constant 64 : i32
        %parallel_loop3A_431 = arith.muli %scan3A_381, %parallel_loop3A_430 : i32
        %parallel_loop3A_432 = arith.addi %parallel_loop3A_431, %parallel_loop3A_405 : i32
        %parallel_loop3A_433 = arith.index_cast %parallel_loop3A_432 : i32 to index
        %parallel_loop3A_434 = arith.constant 32 : index
        %parallel_loop3A_435 = tpu.vector_load %arg8[%parallel_loop3A_433, %parallel_loop3A_434] {strides = array<i32>} : memref<512x128xf32, #tpu.memory_space<vmem>>, vector<1x16xf32>,
        %parallel_loop3A_436 = vector.shape_cast %parallel_loop3A_435 : vector<1x16xf32> to vector<16xf32>
        %parallel_loop3A_437 = arith.addf %parallel_loop3A_408, %parallel_loop3A_436 : vector<16xf32>
        %parallel_loop3A_438 = arith.constant 64 : i32
        %parallel_loop3A_439 = arith.muli %scan3A_381, %parallel_loop3A_438 : i32
        %parallel_loop3A_440 = arith.addi %parallel_loop3A_439, %parallel_loop3A_405 : i32
        %parallel_loop3A_441 = arith.index_cast %parallel_loop3A_440 : i32 to index
        %parallel_loop3A_442 = arith.constant 48 : index
        %parallel_loop3A_443 = tpu.vector_load %arg8[%parallel_loop3A_441, %parallel_loop3A_442] {strides = array<i32>} : memref<512x128xf32, #tpu.memory_space<vmem>>, vector<1x16xf32>,
        %parallel_loop3A_444 = vector.shape_cast %parallel_loop3A_443 : vector<1x16xf32> to vector<16xf32>
        %parallel_loop3A_445 = arith.addf %parallel_loop3A_409, %parallel_loop3A_444 : vector<16xf32>
        %parallel_loop3A_446 = arith.constant 64 : i32
        %parallel_loop3A_447 = arith.muli %scan3A_381, %parallel_loop3A_446 : i32
        %parallel_loop3A_448 = arith.addi %parallel_loop3A_447, %parallel_loop3A_405 : i32
        %parallel_loop3A_449 = arith.index_cast %parallel_loop3A_448 : i32 to index
        %parallel_loop3A_450 = arith.constant 64 : index
        %parallel_loop3A_451 = tpu.vector_load %arg8[%parallel_loop3A_449, %parallel_loop3A_450] {strides = array<i32>} : memref<512x128xf32, #tpu.memory_space<vmem>>, vector<1x16xf32>,
        %parallel_loop3A_452 = vector.shape_cast %parallel_loop3A_451 : vector<1x16xf32> to vector<16xf32>
        %parallel_loop3A_453 = arith.addf %parallel_loop3A_410, %parallel_loop3A_452 : vector<16xf32>
        %parallel_loop3A_454 = arith.constant 64 : i32
        %parallel_loop3A_455 = arith.muli %scan3A_381, %parallel_loop3A_454 : i32
        %parallel_loop3A_456 = arith.addi %parallel_loop3A_455, %parallel_loop3A_405 : i32
        %parallel_loop3A_457 = arith.index_cast %parallel_loop3A_456 : i32 to index
        %parallel_loop3A_458 = arith.constant 80 : index
        %parallel_loop3A_459 = tpu.vector_load %arg8[%parallel_loop3A_457, %parallel_loop3A_458] {strides = array<i32>} : memref<512x128xf32, #tpu.memory_space<vmem>>, vector<1x16xf32>,
        %parallel_loop3A_460 = vector.shape_cast %parallel_loop3A_459 : vector<1x16xf32> to vector<16xf32>
        %parallel_loop3A_461 = arith.addf %parallel_loop3A_411, %parallel_loop3A_460 : vector<16xf32>
        %parallel_loop3A_462 = arith.constant 64 : i32
        %parallel_loop3A_463 = arith.muli %scan3A_381, %parallel_loop3A_462 : i32
        %parallel_loop3A_464 = arith.addi %parallel_loop3A_463, %parallel_loop3A_405 : i32
        %parallel_loop3A_465 = arith.index_cast %parallel_loop3A_464 : i32 to index
        %parallel_loop3A_466 = arith.constant 96 : index
        %parallel_loop3A_467 = tpu.vector_load %arg8[%parallel_loop3A_465, %parallel_loop3A_466] {strides = array<i32>} : memref<512x128xf32, #tpu.memory_space<vmem>>, vector<1x16xf32>,
        %parallel_loop3A_468 = vector.shape_cast %parallel_loop3A_467 : vector<1x16xf32> to vector<16xf32>
        %parallel_loop3A_469 = arith.addf %parallel_loop3A_412, %parallel_loop3A_468 : vector<16xf32>
        %parallel_loop3A_470 = arith.constant 64 : i32
        %parallel_loop3A_471 = arith.muli %scan3A_381, %parallel_loop3A_470 : i32
        %parallel_loop3A_472 = arith.addi %parallel_loop3A_471, %parallel_loop3A_405 : i32
        %parallel_loop3A_473 = arith.index_cast %parallel_loop3A_472 : i32 to index
        %parallel_loop3A_474 = arith.constant 112 : index
        %parallel_loop3A_475 = tpu.vector_load %arg8[%parallel_loop3A_473, %parallel_loop3A_474] {strides = array<i32>} : memref<512x128xf32, #tpu.memory_space<vmem>>, vector<1x16xf32>,
        %parallel_loop3A_476 = vector.shape_cast %parallel_loop3A_475 : vector<1x16xf32> to vector<16xf32>
        %parallel_loop3A_477 = arith.addf %parallel_loop3A_413, %parallel_loop3A_476 : vector<16xf32>
        scf.yield %parallel_loop3A_421, %parallel_loop3A_429, %parallel_loop3A_437, %parallel_loop3A_445, %parallel_loop3A_453, %parallel_loop3A_461, %parallel_loop3A_469, %parallel_loop3A_477 : vector<16xf32>, vector<16xf32>, vector<16xf32>, vector<16xf32>, vector<16xf32>, vector<16xf32>, vector<16xf32>, vector<16xf32>
      } {sc.loop_unroll_factor = 16 : i64, sc.parallel_access}
      scf.yield %parallel_loop3A_404#0, %parallel_loop3A_404#1, %parallel_loop3A_404#2, %parallel_loop3A_404#3, %parallel_loop3A_404#4, %parallel_loop3A_404#5, %parallel_loop3A_404#6, %parallel_loop3A_404#7 : vector<16xf32>, vector<16xf32>, vector<16xf32>, vector<16xf32>, vector<16xf32>, vector<16xf32>, vector<16xf32>, vector<16xf32>
    }
    %scan3A_339 = arith.constant 8 : i32
    %swap3A = arith.constant 0 : index
    %swap3A_340 = tpu.vector_load %arg9[%swap3A] {strides = array<i32>} : memref<128xf32, #tpu.memory_space<vmem>>, vector<16xf32>,
    %swap3A_341 = vector.shape_cast %swap3A_340 : vector<16xf32> to vector<16xf32>
    %swap3A_342 = vector.shape_cast %scan3A_338#0 : vector<16xf32> to vector<16xf32>
    tpu.vector_store %arg9[%swap3A], %swap3A_342 {strides = array<i32>} : memref<128xf32, #tpu.memory_space<vmem>>, vector<16xf32>,
    %swap3A_343 = arith.constant 16 : index
    %swap3A_344 = tpu.vector_load %arg9[%swap3A_343] {strides = array<i32>} : memref<128xf32, #tpu.memory_space<vmem>>, vector<16xf32>,
    %swap3A_345 = vector.shape_cast %swap3A_344 : vector<16xf32> to vector<16xf32>
    %swap3A_346 = vector.shape_cast %scan3A_338#1 : vector<16xf32> to vector<16xf32>
    tpu.vector_store %arg9[%swap3A_343], %swap3A_346 {strides = array<i32>} : memref<128xf32, #tpu.memory_space<vmem>>, vector<16xf32>,
    %swap3A_347 = arith.constant 32 : index
    %swap3A_348 = tpu.vector_load %arg9[%swap3A_347] {strides = array<i32>} : memref<128xf32, #tpu.memory_space<vmem>>, vector<16xf32>,
    %swap3A_349 = vector.shape_cast %swap3A_348 : vector<16xf32> to vector<16xf32>
    %swap3A_350 = vector.shape_cast %scan3A_338#2 : vector<16xf32> to vector<16xf32>
    tpu.vector_store %arg9[%swap3A_347], %swap3A_350 {strides = array<i32>} : memref<128xf32, #tpu.memory_space<vmem>>, vector<16xf32>,
    %swap3A_351 = arith.constant 48 : index
    %swap3A_352 = tpu.vector_load %arg9[%swap3A_351] {strides = array<i32>} : memref<128xf32, #tpu.memory_space<vmem>>, vector<16xf32>,
    %swap3A_353 = vector.shape_cast %swap3A_352 : vector<16xf32> to vector<16xf32>
    %swap3A_354 = vector.shape_cast %scan3A_338#3 : vector<16xf32> to vector<16xf32>
    tpu.vector_store %arg9[%swap3A_351], %swap3A_354 {strides = array<i32>} : memref<128xf32, #tpu.memory_space<vmem>>, vector<16xf32>,
    %swap3A_355 = arith.constant 64 : index
    %swap3A_356 = tpu.vector_load %arg9[%swap3A_355] {strides = array<i32>} : memref<128xf32, #tpu.memory_space<vmem>>, vector<16xf32>,
    %swap3A_357 = vector.shape_cast %swap3A_356 : vector<16xf32> to vector<16xf32>
    %swap3A_358 = vector.shape_cast %scan3A_338#4 : vector<16xf32> to vector<16xf32>
    tpu.vector_store %arg9[%swap3A_355], %swap3A_358 {strides = array<i32>} : memref<128xf32, #tpu.memory_space<vmem>>, vector<16xf32>,
    %swap3A_359 = arith.constant 80 : index
    %swap3A_360 = tpu.vector_load %arg9[%swap3A_359] {strides = array<i32>} : memref<128xf32, #tpu.memory_space<vmem>>, vector<16xf32>,
    %swap3A_361 = vector.shape_cast %swap3A_360 : vector<16xf32> to vector<16xf32>
    %swap3A_362 = vector.shape_cast %scan3A_338#5 : vector<16xf32> to vector<16xf32>
    tpu.vector_store %arg9[%swap3A_359], %swap3A_362 {strides = array<i32>} : memref<128xf32, #tpu.memory_space<vmem>>, vector<16xf32>,
    %swap3A_363 = arith.constant 96 : index
    %swap3A_364 = tpu.vector_load %arg9[%swap3A_363] {strides = array<i32>} : memref<128xf32, #tpu.memory_space<vmem>>, vector<16xf32>,
    %swap3A_365 = vector.shape_cast %swap3A_364 : vector<16xf32> to vector<16xf32>
    %swap3A_366 = vector.shape_cast %scan3A_338#6 : vector<16xf32> to vector<16xf32>
    tpu.vector_store %arg9[%swap3A_363], %swap3A_366 {strides = array<i32>} : memref<128xf32, #tpu.memory_space<vmem>>, vector<16xf32>,
    %swap3A_367 = arith.constant 112 : index
    %swap3A_368 = tpu.vector_load %arg9[%swap3A_367] {strides = array<i32>} : memref<128xf32, #tpu.memory_space<vmem>>, vector<16xf32>,
    %swap3A_369 = vector.shape_cast %swap3A_368 : vector<16xf32> to vector<16xf32>
    %swap3A_370 = vector.shape_cast %scan3A_338#7 : vector<16xf32> to vector<16xf32>
    tpu.vector_store %arg9[%swap3A_367], %swap3A_370 {strides = array<i32>} : memref<128xf32, #tpu.memory_space<vmem>>, vector<16xf32>,
    %eq3A_371 = arith.constant 0 : i32
    %eq3A_372 = arith.cmpi eq, %add3A, %eq3A_371 : i32
    %convert_element_type3A_373 = arith.extui %eq3A_372 : i1 to i32
    %cond3A_374 = arith.constant 0 : i32
    %cond3A_375 = arith.cmpi ne, %convert_element_type3A_373, %cond3A_374 : i32
    scf.if %cond3A_375 {
      %dma_wait3A_381 = arith.constant 0 : i32
      %dma_wait3A_382 = arith.constant 0 : i32
      %dma_wait3A_383 = tpu.memref_slice %arg4[%dma_wait3A_381, %dma_wait3A_382] : memref<100000x128xf32, #tpu.memory_space<hbm>> -> memref<100000x128xf32, #tpu.memory_space<hbm>>
      tpu.wait_indirect_dma semaphore(%arg14 : memref<!tpu.dma_semaphore, #tpu.memory_space<semaphore_mem>>) src(%dma_wait3A_383 : memref<100000x128xf32, #tpu.memory_space<hbm>>) dst(%arg11 : memref<1x128xf32, #tpu.memory_space<vmem>>)
      tpu.enqueue_dma source(%arg11 : memref<1x128xf32, #tpu.memory_space<vmem>>) target(%arg6 : memref<1x128xf32, #tpu.memory_space<hbm>>) target_semaphore(%arg14 : memref<!tpu.dma_semaphore, #tpu.memory_space<semaphore_mem>>)
    } else {
    }
    "tpu.region"() ({
      %run_scoped3A = tpu.sem_alloc : memref<!tpu.dma_semaphore, #tpu.memory_space<semaphore_mem>>
      %dma_start3A_381 = arith.constant 0 : i32
      %dma_start3A_382 = tpu.memref_slice %arg5[%add3A, %dma_start3A_381] : memref<32x128xf32, #tpu.memory_space<hbm>> -> memref<1x128xf32, #tpu.memory_space<hbm>>
      %dma_start3A_383 = tpu.memref_squeeze %dma_start3A_382 : memref<1x128xf32, #tpu.memory_space<hbm>> -> memref<128xf32, #tpu.memory_space<hbm>>
      %dma_start3A_384 = arith.constant 0 : i32
      %dma_start3A_385 = tpu.memref_slice %arg5[%add3A, %dma_start3A_384] : memref<32x128xf32, #tpu.memory_space<hbm>> -> memref<1x128xf32, #tpu.memory_space<hbm>>
      %dma_start3A_386 = tpu.memref_squeeze %dma_start3A_385 : memref<1x128xf32, #tpu.memory_space<hbm>> -> memref<128xf32, #tpu.memory_space<hbm>>
      tpu.enqueue_dma source(%arg9 : memref<128xf32, #tpu.memory_space<vmem>>) target(%dma_start3A_386 : memref<128xf32, #tpu.memory_space<hbm>>) target_semaphore(%run_scoped3A : memref<!tpu.dma_semaphore, #tpu.memory_space<semaphore_mem>>)
      %dma_wait3A_387 = arith.constant 0 : i32
      %dma_wait3A_388 = tpu.memref_slice %arg5[%add3A, %dma_wait3A_387] : memref<32x128xf32, #tpu.memory_space<hbm>> -> memref<1x128xf32, #tpu.memory_space<hbm>>
      %dma_wait3A_389 = tpu.memref_squeeze %dma_wait3A_388 : memref<1x128xf32, #tpu.memory_space<hbm>> -> memref<128xf32, #tpu.memory_space<hbm>>
      %dma_wait3A_390 = arith.constant 0 : i32
      %dma_wait3A_391 = tpu.memref_slice %arg5[%add3A, %dma_wait3A_390] : memref<32x128xf32, #tpu.memory_space<hbm>> -> memref<1x128xf32, #tpu.memory_space<hbm>>
      %dma_wait3A_392 = tpu.memref_squeeze %dma_wait3A_391 : memref<1x128xf32, #tpu.memory_space<hbm>> -> memref<128xf32, #tpu.memory_space<hbm>>
      tpu.wait_dma2 semaphore(%run_scoped3A : memref<!tpu.dma_semaphore, #tpu.memory_space<semaphore_mem>>) src(%arg9 : memref<128xf32, #tpu.memory_space<vmem>>) dst(%dma_wait3A_392 : memref<128xf32, #tpu.memory_space<hbm>>)
      tpu.yield
    }) : () -> ()
    %eq3A_376 = arith.constant 0 : i32
    %eq3A_377 = arith.cmpi eq, %add3A, %eq3A_376 : i32
    %convert_element_type3A_378 = arith.extui %eq3A_377 : i1 to i32
    %cond3A_379 = arith.constant 0 : i32
    %cond3A_380 = arith.cmpi ne, %convert_element_type3A_378, %cond3A_379 : i32
    scf.if %cond3A_380 {
      tpu.wait_dma2 semaphore(%arg14 : memref<!tpu.dma_semaphore, #tpu.memory_space<semaphore_mem>>) src(%arg11 : memref<1x128xf32, #tpu.memory_space<vmem>>) dst(%arg6 : memref<1x128xf32, #tpu.memory_space<hbm>>)
    } else {
    }
    return
  }
}

module attributes {stable_mosaic.version = 14 : i64} {
  func.func @_tc_finish_body(%arg0: memref<32x128xf32, #tpu.memory_space<vmem>>, %arg1: memref<1x128xf32, #tpu.memory_space<vmem>>, %arg2: memref<128x128xf32, #tpu.memory_space<vmem>>, %arg3: memref<1x128xf32, #tpu.memory_space<vmem>>, %arg4: memref<1x128xf32, #tpu.memory_space<vmem>>) attributes {dimension_semantics = [], scalar_prefetch = 0 : i64, scratch_operands = 0 : i64, tpu.core_type = #tpu.core_type<tc>} {
    %get3A = arith.constant 0 : index
    %get3A_0 = arith.constant 0 : index
    %get3A_1 = vector.load %arg0[%get3A, %get3A_0] : memref<32x128xf32, #tpu.memory_space<vmem>>, vector<32x128xf32>
    %reduce_sum3A = arith.constant dense<0.000000e+00> : vector<128xf32>
    %reduce_sum3A_2 = vector.multi_reduction <add>, %get3A_1, %reduce_sum3A [0] : vector<32x128xf32> to vector<128xf32>
    %broadcast_in_dim3A = vector.shape_cast %reduce_sum3A_2 : vector<128xf32> to vector<1x128xf32>
    %mul3A = arith.constant 3.05175781E-5 : f32
    %mul3A_3 = vector.broadcast %mul3A : f32 to vector<1x128xf32>
    %mul3A_4 = arith.mulf %broadcast_in_dim3A, %mul3A_3 : vector<1x128xf32>
    %get3A_5 = arith.constant 0 : index
    %get3A_6 = arith.constant 0 : index
    %get3A_7 = vector.load %arg1[%get3A_5, %get3A_6] : memref<1x128xf32, #tpu.memory_space<vmem>>, vector<1x128xf32>
    %mul3A_8 = arith.constant 5.000000e-01 : f32
    %mul3A_9 = vector.broadcast %mul3A_8 : f32 to vector<1x128xf32>
    %mul3A_10 = arith.mulf %get3A_7, %mul3A_9 : vector<1x128xf32>
    %add3A = arith.addf %mul3A_4, %mul3A_10 : vector<1x128xf32>
    %get3A_11 = arith.constant 0 : index
    %get3A_12 = arith.constant 0 : index
    %get3A_13 = vector.load %arg2[%get3A_11, %get3A_12] : memref<128x128xf32, #tpu.memory_space<vmem>>, vector<128x128xf32>
    %dot_general3A = arith.constant dense<0.000000e+00> : vector<1x128xf32>
    %dot_general3A_14 = tpu.matmul %add3A, %get3A_13, %dot_general3A {dimension_numbers = #tpu.dot_dimension_numbers<[1], [1], [0], [0], [0, 0, 1, 0], [], []>, transpose_lhs_hint = false} : vector<1x128xf32>, vector<128x128xf32>, vector<1x128xf32> -> vector<1x128xf32>
    %get3A_15 = arith.constant 0 : index
    %get3A_16 = arith.constant 0 : index
    %get3A_17 = vector.load %arg3[%get3A_15, %get3A_16] : memref<1x128xf32, #tpu.memory_space<vmem>>, vector<1x128xf32>
    %add3A_18 = arith.addf %dot_general3A_14, %get3A_17 : vector<1x128xf32>
    %swap3A = arith.constant 0 : index
    %swap3A_19 = arith.constant 0 : index
    %swap3A_20 = vector.load %arg4[%swap3A, %swap3A_19] : memref<1x128xf32, #tpu.memory_space<vmem>>, vector<1x128xf32>
    tpu.vector_store %arg4[%swap3A, %swap3A_19], %add3A_18 {strides = array<i32>} : memref<1x128xf32, #tpu.memory_space<vmem>>, vector<1x128xf32>,
    return
  }
}

</mosaic_0001>

<sc_bundles>
// kernel: kernel.4.cloned.1.call-start
scs
__scs_entry_jumppad:
0x0: {  	(pc) =	sbr.rel $0x88, $3  }
0x1: {  	(tag) =	ssettag $0x0;
	lr =	simm.s32 $0x1  }
0x2: {  	[smem:$0x3F9C] =	sst lr;
	_ =	strace $0xD0000000  }
0x3: {  	_ = 	snop  }
0x4: {  	_ = 	snop  }
0x5: {  	_ = 	snop  }
0x6: {  	_ = 	snop  }
0x7: {  	_ = 	snop  }
__scs_overlays_trampoline_lowered:
0x8: {  	[smem:$0x3FAB] =	sst s0  }
0x9: {  	[smem:$0x3FAC] =	sst s1  }
0xa: {  	[smem:$0x3FAD] =	sst s2  }
0xb: {  	[smem:$0x3FAE] =	sst s3  }
0xc: {  	[smem:$0x3FAF] =	sst s4  }
0xd: {  	[smem:$0x3FB0] =	sst s5  }
0xe: {  	[smem:$0x3FB1] =	sst s6  }
0xf: {  	[smem:$0x3FB2] =	sst s7  }
0x10: {  	[smem:$0x3FB3] =	sst s8  }
0x11: {  	[smem:$0x3FB4] =	sst s9;
	s0 =	simm.s32 @!p0 $0x0  }
0x12: {  	s1 =	sld [smem:$0x3F9A];
	s0 =	simm.s32 @p0 $0x1  }
0x13: {  	[smem:$0x3FB5] =	sst s0;
	s0 =	simm.s32 @!p1 $0x0  }
0x14: {  	s2 =	sld [smem:$0x3F99];
	s0 =	simm.s32 @p1 $0x1  }
0x15: {  	[smem:$0x3FB6] =	sst s0;
	s0 =	simm.s32 @!p2 $0x0  }
0x16: {  	s3 =	sld [smem:$0x3FDB];
	s0 =	simm.s32 @p2 $0x1  }
0x17: {  	s4 =	simm.s32 $0x1BF5;
	[smem:$0x3FB8] =	sst s0  }
0x18: {  	s0 =	sld [smem:$0x3F9B];
	_ =	swait.ge [sflag:s4], $0x0  }
0x19: {  	s7 =	sld [smem:$0x3F9C]  }
0x1a: {  	s8 =	sadd.s32 $0xFFFFE003, lr  }
0x1b: {  	s9 =	sadd.s32 $0xFFFFFEF7, lr;
	s5 =	simm.s32 $0xFFFFFFFF;
	p2 =	slt.u32 s8, $0xFFFFF086  }
0x1c: {  	p1 =	slt.u32 s9, $0xF7A;
	s5 =	simm.s32 @!p2 $0x0  }
0x1d: {  	s5 =	simm.s32 @p1 $0x1;
	p0 =	seq.s32 s7, s2  }
0x1e: {  	s7 =	smul.u32 @!p0 $0xF7A, s2;
	p2 =	seq.s32 @!p0 s5, $0x0  }
0x1f: {  	s9 =	smul.u32 $0xF7A, s1;
	s8 =	simm.s32 @!p0 $0x1BF5;
	p2 =	por !p2, p0  }
0x20: {  	[sflag:s8] =	ssyncset.s32 @!p0 $0xFFFFF086;
	s6 =	sadd.s32 @!p0 s3, s7;
	s7 =	simm.s32 @!p0 $0x108  }
0x21: {  	s3 =	sadd.s32 s3, s9;
	s6 =	sadd.s32 @!p0 $0x88, s6;
	s7 =	simm.s32 @p2 $0x1082  }
0x22: {  	[simem:s7], [sflag:s8] =	dma.local @!p0 [hbm:s6], $0xF7A  }
0x23: {  	s9 =	sor.u32 $0xD0000000, s2;
	s6 =	simm.s32 $0x108;
	_ =	swait.ge @!p0 [sflag:s8], $0x0  }
0x24: {  	s3 =	sadd.s32 $0x88, s3;
	s6 =	simm.s32 @!p1 $0x1082;
	[sflag:s4] =	ssyncset.s32 $0xFFFFF086  }
0x25: {  	[simem:s6], [sflag:s4] =	dma.local [hbm:s3], $0xF7A  }
0x26: {  	[smem:$0x3F9C] =	sst s1;
	(tag) =	ssettag s2;
	_ =	strace s9  }
0x27: {  	s1 =	sld [smem:$0x3FAC]  }
0x28: {  	s2 =	sld [smem:$0x3FAD]  }
0x29: {  	s4 =	sld [smem:$0x3FAF]  }
0x2a: {  	p0 =	seq.s32 s5, $0x0;
	s5 =	sld [smem:$0x3FB0]  }
0x2b: {  	s6 =	sld [smem:$0x3FB1]  }
0x2c: {  	s7 =	sld [smem:$0x3FB2]  }
0x2d: {  	s3 =	simm.s32 $0x108;
	s8 =	sld [smem:$0x3FB3]  }
0x2e: {  	s3 =	simm.s32 @!p0 $0x1082;
	s9 =	sld [smem:$0x3FB4]  }
0x2f: {  	lr =	sadd.s32 s0, s3;
	s0 =	sld [smem:$0x3FAB]  }
0x30: {  	s3 =	sld [smem:$0x3FAE]  }
0x31: {  	[smem:$0x3FB7] =	sst s10  }
0x32: {  	s10 =	sld [smem:$0x3FB5];
	_ =	sdelay $0x3  }
0x33: {  	p0 =	seq.s32 s10, $0x1;
	s10 =	sld [smem:$0x3FB7];
	_ =	sdelay $0x3  }
0x34: {  	[smem:$0x3FB7] =	sst s10  }
0x35: {  	s10 =	sld [smem:$0x3FB6];
	_ =	sdelay $0x3  }
0x36: {  	p1 =	seq.s32 s10, $0x1;
	s10 =	sld [smem:$0x3FB7];
	_ =	sdelay $0x3  }
0x37: {  	[smem:$0x3FB7] =	sst s10  }
0x38: {  	s10 =	sld [smem:$0x3FB8]  }
0x39: {  	_ = 	snop;
	(pc) =	sbr.ind lr, $3  }
0x3a: {  	_ = 	snop  }
0x3b: {  	_ = 	snop  }
0x3c: {  	p2 =	seq.s32 s10, $0x1;
	s10 =	sld [smem:$0x3FB7]  }
0x3d: {  	_ =	shalt  }
0x3e: {  	_ =	shalt  }
0x3f: {  	_ =	shalt  }
0x40: {  	_ =	shalt  }
0x41: {  	_ =	shalt  }
0x42: {  	_ =	shalt  }
0x43: {  	_ =	shalt  }
0x44: {  	_ =	shalt  }
0x45: {  	_ =	shalt  }
0x46: {  	_ =	shalt  }
0x47: {  	_ =	shalt  }
0x48: {  	_ =	shalt  }
0x49: {  	_ =	shalt  }
0x4a: {  	_ =	shalt  }
0x4b: {  	_ =	shalt  }
0x4c: {  	_ =	shalt  }
0x4d: {  	_ =	shalt  }
0x4e: {  	_ =	shalt  }
0x4f: {  	_ =	shalt  }
0x50: {  	_ =	shalt  }
0x51: {  	_ =	shalt  }
0x52: {  	_ =	shalt  }
0x53: {  	_ =	shalt  }
0x54: {  	_ =	shalt  }
0x55: {  	_ =	shalt  }
0x56: {  	_ =	shalt  }
0x57: {  	_ =	shalt  }
0x58: {  	_ =	shalt  }
0x59: {  	_ =	shalt  }
0x5a: {  	_ =	shalt  }
0x5b: {  	_ =	shalt  }
0x5c: {  	_ =	shalt  }
0x5d: {  	_ =	shalt  }
0x5e: {  	_ =	shalt  }
0x5f: {  	_ =	shalt  }
0x60: {  	_ =	shalt  }
0x61: {  	_ =	shalt  }
0x62: {  	_ =	shalt  }
0x63: {  	_ =	shalt  }
0x64: {  	_ =	shalt  }
0x65: {  	_ =	shalt  }
0x66: {  	_ =	shalt  }
0x67: {  	_ =	shalt  }
0x68: {  	_ =	shalt  }
0x69: {  	_ =	shalt  }
0x6a: {  	_ =	shalt  }
0x6b: {  	_ =	shalt  }
0x6c: {  	_ =	shalt  }
0x6d: {  	_ =	shalt  }
0x6e: {  	_ =	shalt  }
0x6f: {  	_ =	shalt  }
0x70: {  	_ =	shalt  }
0x71: {  	_ =	shalt  }
0x72: {  	_ =	shalt  }
0x73: {  	_ =	shalt  }
0x74: {  	_ =	shalt  }
0x75: {  	_ =	shalt  }
0x76: {  	_ =	shalt  }
0x77: {  	_ =	shalt  }
0x78: {  	_ =	shalt  }
0x79: {  	_ =	shalt  }
0x7a: {  	_ =	shalt  }
0x7b: {  	_ =	shalt  }
0x7c: {  	_ =	shalt  }
0x7d: {  	_ =	shalt  }
0x7e: {  	_ =	shalt  }
0x7f: {  	_ =	shalt  }
0x80: {  	_ =	shalt  }
0x81: {  	_ =	shalt  }
0x82: {  	_ =	shalt  }
0x83: {  	_ =	shalt  }
0x84: {  	_ =	shalt  }
0x85: {  	_ =	shalt  }
0x86: {  	_ =	shalt  }
0x87: {  	_ =	shalt  }
.Lfunc_end0:
.L_simem_size_0:
called_computation_lowered:
.L_overlay_start_0:
0x88: {  	s2 =	sld [smem:$0x3FD9]  }
0x89: {  	s3 =	sld [smem:$0x3FFE];
	_ =	sdelay $0x1  }
0x8a: {  	s1 =	srdreg.scid  }
0x8b: {  	s0 =	sand.u32 $0x1, s1  }
0x8c: {  	s17 =	sshll.u32 s0, $0xA;
	s2 =	sadd.s32 s3, s2  }
0x8d: {  	s2 =	sadd.s32 s2, s17  }
0x8e: {  	[smem:$0x3FC3] =	sst s2  }
0x8f: {  	_ = 	snop  }
0x90: {  	s2 =	sld [smem:$0x3FC9]  }
0x91: {  	s18 =	sld [smem:$0x3FC8]  }
0x92: {  	s4 =	sld [smem:$0x3FC7]  }
0x93: {  	s5 =	sld [smem:$0x3FD0];
	(tm) =	ssettm $0x1  }
0x94: {  	s6 =	sld [smem:$0x3FFB];
	_ =	sdelay $0x3  }
0x95: {  	_ =	strace s6  }
0x96: {  	s6 =	sld [smem:$0x3FFC];
	_ =	sdelay $0x3  }
0x97: {  	_ =	strace s6  }
0x98: {  	s6 =	sld [smem:$0x3FFD];
	_ =	sdelay $0x3  }
0x99: {  	_ =	strace s6  }
0x9a: {  	_ =	strace $0x8FFFFFFF  }
0x9b: {  	s19 =	sld [smem:$0x3FDB];
	_ =	sdelay $0x1  }
0x9c: {  	s7 =	simm.s32 $_scs_section_size  }
0x9d: {  	s8 =	simm.s32 $_size__tile_overlayer_lowered;
	s9 =	simm.s32 $_tile_overlayer_lowered  }
0x9e: {  	s22 =	simm.s32 $0x1BFF;
	s21 =	sshll.u32 s9, $0x1;
	s6 =	sadd.s32 s7, s19  }
0x9f: {  	s10 =	simm.s32 $0x0;
	s20 =	sshll.u32 s8, $0x1;
	s8 =	sadd.s32 s21, s6  }
0xa0: {  	[timem:s10], [sflag:s22] =	dma.local [hbm:s8], s20  }
0xa1: {  	_ =	swait.ge [sflag:s22], s20  }
0xa2: {  	s7 =	ssub.s32 $0x0, s20;
	[sflag:s22] =	ssyncset.done $0x0  }
0xa3: {  	[sflag:s22] =	ssyncadd.s32 s7;
	_ =	sdelay $0x1  }
0xa4: {  	s23 =	simm.s32 $0x1B8B  }
0xa5: {  	_ =	swait.ge [sflag:s23], $0x1  }
0xa6: {  	[sflag:s23] =	ssyncset.done $0x0  }
0xa7: {  	s25 =	simm.s32 $0x1B8E;
	s24 =	sld [smem:$0x3FFE];
	[sflag:s23] =	ssyncadd.s32 $0xFFFFFFFF  }
0xa8: {  	s26 =	simm.s32 $execute0_lowered;
	[smem:$0x3FD2] =	sst s25  }
0xa9: {  	s8 =	sshll.u32 s26, $0x1;
	_ =	strace $0x80000046;
	[dreg:$0x1] =	wrdreg $0xFFFFFFFF  }
0xaa: {  	s28 =	simm.s32 $_size_execute0_lowered;
	s6 =	sadd.s32 s6, s8;
	[dreg:$0x0] =	wrdreg $0x0  }
0xab: {  	s8 =	sshll.u32 s28, $0x1;
	[dreg:$0x2] =	wrdreg s6  }
0xac: {  	[dreg:$0x3] =	wrdreg s8  }
0xad: {  	[dreg:$0x4] =	wrdreg $0xC0  }
0xae: {  	_ =	task [dreg:s10], $0x5FFFF  }
0xaf: {  	[dreg:$0x1] =	wrdreg $0xFFFFFFFF  }
0xb0: {  	[dreg:$0x0] =	wrdreg $0x60  }
0xb1: {  	[dreg:$0x2] =	wrdreg s2  }
0xb2: {  	[dreg:$0x3] =	wrdreg s18  }
0xb3: {  	[dreg:$0x4] =	wrdreg s4  }
0xb4: {  	[dreg:$0x5] =	wrdreg s24  }
0xb5: {  	[dreg:$0x6] =	wrdreg s5  }
0xb6: {  	[dreg:$0x7] =	wrdreg $0x9  }
0xb7: {  	_ =	task.clear_ibuf [dreg:s10], $0x8FFFF;
	_ =	strace $0x90000046  }
0xb8: {  	s29 =	simm.s32 $0x9;
	_ =	strace $0x80000048  }
0xb9: {  	_ =	swait.ge [sflag:s29], $0x1  }
0xba: {  	[sflag:s29] =	ssyncadd.s32 $0xFFFFFFFF  }
0xbb: {  	_ =	strace $0x90000048  }
0xbc: {  	_ =	sfence  }
0xbd: {  	s30 =	sld [smem:$0x0];
	_ =	sdelay $0x2  }
0xbe: {  	s31 =	sshll.u32 s1, $0xD;
	s1 =	sshrl.u32 s1, $0x2  }
0xbf: {  	s3 =	sand.u32 $0x4000, s31;
	s1 =	sadd.s32 s1, s30  }
0xc0: {  	s0 =	sor.u32 s3, s0;
	s1 =	sshll.u32 s1, $0x11  }
0xc1: {  	s0 =	sor.u32 s1, s0  }
0xc2: {  	s0 =	sadd.s32 $0x8F2B, s0  }
0xc3: {  	[sflag:s0] =	ssyncadd.remote.s32 $0x1  }
0xc4: {  	_ =	sfence.sel $0xFFFF  }
0xc5: {  	[dreg:$0x0] =	wrdreg $0xFFFFFFFF;
	(pc) =	sbr.abs _section_cstart, $3  }
0xc6: {  	[dreg:$0x1] =	wrdreg $0xFFFFFFFF  }
0xc7: {  	_ =	task.clear_ibuf [dreg:s10], $0x2FFFF;
	_ =	strace $0x9FFFFFFF  }
0xc8: {  	(tm) =	ssettm $0x7FFFFFFF  }
0xc9: {  	_ =	shalt  }
tec
execute0_lowered:
.L_overlay_start_1:
0x0: {  	(tag) =	ssettag $0x1  }
0x1: {  	s0 =	rddreg [dreg:$0x0]  }
0x2: {  	s2 =	rddreg [dreg:$0x2]  }
0x3: {  	s1 =	rddreg [dreg:$0x3]  }
0x4: {  	s5 =	simm.s32 $0x0;
	s3 =	srdreg.scid;
	s4 =	stileid.u32  }
0x5: {  	s16 =	simm.s32 $0x80;
	s17 =	simm.s32 $0x100;
	s18 =	simm.s32 $0x180  }
0x6: {  	s19 =	simm.s32 $0x200;
	s20 =	simm.s32 $0x280;
	s21 =	simm.s32 $0x300  }
0x7: {  	s22 =	simm.s32 $0x380;
	s23 =	simm.s32 $0x1;
	s29 =	simm.s32 $0x3  }
0x8: {  	s31 =	simm.s32 $0x4;
	s3 =	sand.u32 $0x1, s3;
	s4 =	sshll.u32 s4, $0x1  }
0x9: {  	s28 =	simm.s32 $0x7;
	[smem:$0x7FF] =	sst s5;
	s4 =	sor.u32 s3, s4  }
0xa: {  	_ =	strace $0x80000047;
	s3 =	ssub.s32 $0x2, s3;
	s6 =	sshll.u32 s4, $0x4  }
0xb: {  	s7 =	sshll.u32 s4, $0x6;
	s8 =	sshrl.u32 s3, $0x1;
	p0 =	sne.s32 s4, $0x0  }
0xc: {  	s4 =	simm.s32 $0x6;
	s1 =	sadd.s32 s6, s1;
	s6 =	sadd.s32 s0, s7  }
0xd: {  	s24 =	ssub.s32 s3, s8;
	s3 =	simm.s32 $0x5;
	s0 =	simm.s32 $0x8  }
0xe: {  	s25 =	sadd.s32 $0x8, s6;
	s26 =	sadd.s32 $0x10, s6;
	s30 =	sadd.s32 $0x18, s6  }
0xf: {  	s10 =	sadd.s32 $0x20, s6;
	s11 =	sadd.s32 $0x28, s6;
	s12 =	sadd.s32 $0x30, s6  }
0x10: {  	s13 =	sadd.s32 $0x38, s6;
	s14 =	sadd.s32 $0x1000, s1;
	[dreg:$0x6] =	wrdreg s25  }
0x11: {  	s15 =	smax.u32 s24, $0x1;
	s24 =	simm.s32 $0x40;
	[dreg:$0x7] =	wrdreg s26  }
0x12: {  	[dreg:$0x8] =	wrdreg s30;
	s26 =	simm.s32 $0x2;
	s25 =	simm.s32 $0x0  }
.LBB2_1:
0x13: {  	s1 =	simm.s32 @!p0 $0x0;
	s7 =	simm.s32 @!p0 $0x10480;
	s8 =	rddreg [dreg:$0x1]  }
0x14: {  	[tilespmem:s7], [sflag:$0x11] =	stream.linear.gather @!p0 [hbm4b:s8+s1], $0x80, $0x38;
	[tilespmem:$0x10580] =	vst v63  }
0x15: {  	_ = 	snop  }
0x16: {  	[tilespmem:s5], [sflag:$0x1] =	stream.linear.gather [hbm4b:s6+s5], $0x40, $0x38;
	[tilespmem:$0x10580] =	vst v63  }
0x17: {  	s9 =	rddreg [dreg:$0x6]  }
0x18: {  	[tilespmem:s16], [sflag:$0x2] =	stream.linear.gather [hbm4b:s9+s5], $0x40, $0x38;
	[tilespmem:$0x10580] =	vst v63  }
0x19: {  	s8 =	rddreg [dreg:$0x7]  }
0x1a: {  	[tilespmem:s17], [sflag:$0x3] =	stream.linear.gather [hbm4b:s8+s5], $0x40, $0x38;
	[tilespmem:$0x10580] =	vst v63  }
0x1b: {  	s9 =	rddreg [dreg:$0x8]  }
0x1c: {  	[tilespmem:s18], [sflag:$0x4] =	stream.linear.gather [hbm4b:s9+s5], $0x40, $0x38;
	[tilespmem:$0x10580] =	vst v63  }
0x1d: {  	_ = 	snop  }
0x1e: {  	[tilespmem:s19], [sflag:$0x5] =	stream.linear.gather [hbm4b:s10+s5], $0x40, $0x38;
	[tilespmem:$0x10580] =	vst v63  }
0x1f: {  	_ = 	snop  }
0x20: {  	[tilespmem:s20], [sflag:$0x6] =	stream.linear.gather [hbm4b:s11+s5], $0x40, $0x38;
	[tilespmem:$0x10580] =	vst v63  }
0x21: {  	_ = 	snop  }
0x22: {  	[tilespmem:s21], [sflag:$0x7] =	stream.linear.gather [hbm4b:s12+s5], $0x40, $0x38;
	[tilespmem:$0x10580] =	vst v63  }
0x23: {  	_ = 	snop  }
0x24: {  	[tilespmem:s22], [sflag:$0x8] =	stream.linear.gather [hbm4b:s13+s5], $0x40, $0x38;
	[tilespmem:$0x10580] =	vst v63  }
0x25: {  	_ =	swait.ge [sflag:s23], $0x40  }
0x26: {  	[sflag:s23] =	ssyncset.done $0x0  }
0x27: {  	s8 =	simm.s32 $0x400;
	[sflag:s23] =	ssyncadd.s32 $0xFFFFFFC0  }
0x28: {  	[tilespmem:s8], [sflag:$0x9] =	stream.indirect.gather [hbm4b:s2+s24], $0x80, s5, s24, $0xb8;
	[tilespmem:$0x10580] =	vst v63  }
0x29: {  	_ =	swait.ge [sflag:s26], $0x40  }
0x2a: {  	[sflag:s26] =	ssyncset.done $0x0  }
0x2b: {  	s9 =	simm.s32 $0x2400;
	[sflag:s26] =	ssyncadd.s32 $0xFFFFFFC0  }
0x2c: {  	[tilespmem:s9], [sflag:$0xA] =	stream.indirect.gather [hbm4b:s2+s24], $0x80, s16, s24, $0xb8;
	[tilespmem:$0x10580] =	vst v63  }
0x2d: {  	_ =	swait.ge [sflag:s29], $0x40  }
0x2e: {  	[sflag:s29] =	ssyncset.done $0x0  }
0x2f: {  	s8 =	simm.s32 $0x4400;
	[sflag:s29] =	ssyncadd.s32 $0xFFFFFFC0  }
0x30: {  	[tilespmem:s8], [sflag:$0xB] =	stream.indirect.gather [hbm4b:s2+s24], $0x80, s17, s24, $0xb8;
	[tilespmem:$0x10580] =	vst v63  }
0x31: {  	_ =	swait.ge [sflag:s31], $0x40  }
0x32: {  	[sflag:s31] =	ssyncset.done $0x0  }
0x33: {  	s9 =	simm.s32 $0x6400;
	[sflag:s31] =	ssyncadd.s32 $0xFFFFFFC0  }
0x34: {  	[tilespmem:s9], [sflag:$0xC] =	stream.indirect.gather [hbm4b:s2+s24], $0x80, s18, s24, $0xb8;
	[tilespmem:$0x10580] =	vst v63  }
0x35: {  	_ =	swait.ge [sflag:s3], $0x40  }
0x36: {  	[sflag:s3] =	ssyncset.done $0x0  }
0x37: {  	s8 =	simm.s32 $0x8400;
	[sflag:s3] =	ssyncadd.s32 $0xFFFFFFC0  }
0x38: {  	[tilespmem:s8], [sflag:$0xD] =	stream.indirect.gather [hbm4b:s2+s24], $0x80, s19, s24, $0xb8;
	[tilespmem:$0x10580] =	vst v63  }
0x39: {  	_ =	swait.ge [sflag:s4], $0x40  }
0x3a: {  	[sflag:s4] =	ssyncset.done $0x0  }
0x3b: {  	s9 =	simm.s32 $0xA400;
	[sflag:s4] =	ssyncadd.s32 $0xFFFFFFC0  }
0x3c: {  	[tilespmem:s9], [sflag:$0xE] =	stream.indirect.gather [hbm4b:s2+s24], $0x80, s20, s24, $0xb8;
	[tilespmem:$0x10580] =	vst v63  }
0x3d: {  	_ =	swait.ge [sflag:s28], $0x40  }
0x3e: {  	[sflag:s28] =	ssyncset.done $0x0  }
0x3f: {  	s8 =	simm.s32 $0xC400;
	[sflag:s28] =	ssyncadd.s32 $0xFFFFFFC0  }
0x40: {  	[tilespmem:s8], [sflag:$0xF] =	stream.indirect.gather [hbm4b:s2+s24], $0x80, s21, s24, $0xb8;
	[tilespmem:$0x10580] =	vst v63  }
0x41: {  	_ =	swait.ge [sflag:s0], $0x40  }
0x42: {  	[sflag:s0] =	ssyncset.done $0x0  }
0x43: {  	s1 =	simm.s32 @!p0 $0x11;
	s9 =	simm.s32 $0xE400;
	[sflag:s0] =	ssyncadd.s32 $0xFFFFFFC0  }
0x44: {  	[tilespmem:s9], [sflag:$0x10] =	stream.indirect.gather [hbm4b:s2+s24], $0x80, s22, s24, $0xb8;
	[tilespmem:$0x10580] =	vst v63  }
0x45: {  	_ =	swait.ge @!p0 [sflag:s1], $0x80  }
0x46: {  	[sflag:s1] =	ssyncset.done @!p0 $0x0  }
0x47: {  	v7 =	vimm.f32 $0.0e+00;
	v0 =	vimm.f32 $0.0e+00;
	s8 =	simm.s32 @!p0 $0x10500;
	[sflag:s1] =	ssyncadd.s32 @!p0 $0xFFFFFF80;
	s1 =	simm.s32 @!p0 $0x1  }
0x48: {  	v1 =	vimm.f32 $0.0e+00;
	v2 =	vimm.f32 $0.0e+00;
	v3 =	vimm.f32 $0.0e+00;
	[tilespmem:s8], [sflag:$0x11] =	stream.indirect.gather @!p0 [hbm4b:s2+s1], $0x80, s7, s1, $0xb8;
	[tilespmem:$0x10580] =	vst v63  }
0x49: {  	s30 =	simm.s32 $0x440;
	v4 =	vimm.f32 $0.0e+00;
	v5 =	vimm.f32 $0.0e+00;
	v8 =	vimm.f32 $0.0e+00;
	s1 =	simm.s32 $0x0  }
.LBB2_2:
0x4a: {  	v6 =	vmov s30  }
0x4b: {  	s7 =	sadd.s32 $0x9, s1  }
0x4c: {  	_ =	swait.ge [sflag:s7], $0x2000  }
0x4d: {  	[sflag:s7] =	ssyncset.done $0x0  }
0x4e: {  	s9 =	simm.s32 $0x0;
	[sflag:s7] =	ssyncadd.s32 $0xFFFFE000  }
0x4f: {  	v14 =	vld.idx.msk [tilespmem:v6+s9+$0x30 ss:$0x1], $0xffff  }
0x50: {  	v15 =	vld.idx.msk [tilespmem:v6+s9+$0xFFFFFFC0 ss:$0x1], $0xffff  }
0x51: {  	v12 =	vld.idx.msk [tilespmem:v6+s9+$0xFFFFFFD0 ss:$0x1], $0xffff  }
0x52: {  	v13 =	vld.idx.msk [tilespmem:v6+s9+$0xFFFFFFE0 ss:$0x1], $0xffff  }
0x53: {  	v10 =	vld.idx.msk [tilespmem:v6+s9+$0xFFFFFFF0 ss:$0x1], $0xffff  }
0x54: {  	v11 =	vld.idx.msk [tilespmem:v6+s9+$0x0 ss:$0x1], $0xffff  }
0x55: {  	v9 =	vld.idx.msk [tilespmem:v6+s9+$0x10 ss:$0x1], $0xffff  }
0x56: {  	s8 =	simm.s32 $0x400;
	s7 =	simm.s32 $0x80;
	v7 =	vadd.f32 v14, v7;
	v8 =	vadd.f32 v15, v8;
	v14 =	vld.idx.msk [tilespmem:v6+s9+$0x20 ss:$0x1], $0xffff  }
.LBB2_3:
0x57: {  	p1 =	sne.s32 s8, $0x7E00;
	v15 =	vld.idx.msk [tilespmem:v6+s7+$0x30 ss:$0x1], $0xffff;
	v5 =	vadd.f32 v12, v5  }
0x58: {  	v4 =	vadd.f32 v13, v4;
	v16 =	vld.idx.msk [tilespmem:v6+s7+$0xFFFFFFC0 ss:$0x1], $0xffff  }
0x59: {  	v3 =	vadd.f32 v10, v3;
	v12 =	vld.idx.msk [tilespmem:v6+s7+$0xFFFFFFD0 ss:$0x1], $0xffff  }
.Ltmp0:
0x5a: {  	v2 =	vadd.f32 v11, v2;
	v13 =	vld.idx.msk [tilespmem:v6+s7+$0xFFFFFFE0 ss:$0x1], $0xffff;
	(pc) =	sbr.rel @p1 .LBB2_3-.Ltmp0, $4  }
0x5b: {  	v1 =	vadd.f32 v9, v1;
	v10 =	vld.idx.msk [tilespmem:v6+s7+$0xFFFFFFF0 ss:$0x1], $0xffff  }
0x5c: {  	v0 =	vadd.f32 v14, v0;
	v11 =	vld.idx.msk [tilespmem:v6+s7+$0x0 ss:$0x1], $0xffff  }
0x5d: {  	v7 =	vadd.f32 v15, v7;
	v9 =	vld.idx.msk [tilespmem:v6+s7+$0x10 ss:$0x1], $0xffff  }
0x5e: {  	v8 =	vadd.f32 v16, v8;
	v14 =	vld.idx.msk [tilespmem:v6+s7+$0x20 ss:$0x1], $0xffff;
	s7 =	sshra.s32 s8, $0x2;
	s8 =	sadd.s32 $0x200, s8  }
0x5f: {  	_ =	sdelay $0x3  }
0x60: {  	v15 =	vld.idx.msk [tilespmem:v6+s7+$0x30 ss:$0x1], $0xffff  }
0x61: {  	v16 =	vld.idx.msk [tilespmem:v6+s7+$0xFFFFFFC0 ss:$0x1], $0xffff  }
0x62: {  	v17 =	vld.idx.msk [tilespmem:v6+s7+$0xFFFFFFD0 ss:$0x1], $0xffff  }
0x63: {  	v18 =	vld.idx.msk [tilespmem:v6+s7+$0xFFFFFFE0 ss:$0x1], $0xffff  }
0x64: {  	v19 =	vld.idx.msk [tilespmem:v6+s7+$0xFFFFFFF0 ss:$0x1], $0xffff  }
0x65: {  	v20 =	vld.idx.msk [tilespmem:v6+s7+$0x0 ss:$0x1], $0xffff  }
0x66: {  	v5 =	vadd.f32 v12, v5;
	v4 =	vadd.f32 v13, v4;
	v63 =	vld.idx.msk [tilespmem:v6+s7+$0x10 ss:$0x1], $0xffff;
	s1 =	sadd.s32 $0x1, s1  }
0x67: {  	v6 =	vld.idx.msk [tilespmem:v6+s7+$0x20 ss:$0x1], $0xffff;
	v3 =	vadd.f32 v10, v3;
	p1 =	sne.s32 s1, $0x8;
	v2 =	vadd.f32 v11, v2  }
.Ltmp1:
0x68: {  	v1 =	vadd.f32 v9, v1;
	v0 =	vadd.f32 v14, v0;
	(pc) =	sbr.rel @p1 .LBB2_2-.Ltmp1, $4  }
0x69: {  	v7 =	vadd.f32 v15, v7;
	v8 =	vadd.f32 v16, v8  }
0x6a: {  	v5 =	vadd.f32 v17, v5;
	v4 =	vadd.f32 v18, v4  }
0x6b: {  	v3 =	vadd.f32 v19, v3;
	v2 =	vadd.f32 v20, v2  }
0x6c: {  	s30 =	sadd.s32 $0x2000, s30;
	v1 =	vadd.f32 v63, v1;
	v0 =	vadd.f32 v6, v0  }
0x6d: {  	[tilespmem:$0x10400] =	vst v8  }
0x6e: {  	[tilespmem:$0x10410] =	vst v5  }
0x6f: {  	[tilespmem:$0x10420] =	vst v4  }
0x70: {  	[tilespmem:$0x10430] =	vst v3  }
0x71: {  	[tilespmem:$0x10440] =	vst v2  }
0x72: {  	[tilespmem:$0x10470] =	vst v7  }
0x73: {  	[tilespmem:$0x10450] =	vst v1  }
0x74: {  	s1 =	simm.s32 @p0 $0x0;
	s7 =	simm.s32 @p0 $0x10400;
	[tilespmem:$0x10460] =	vst v0  }
0x75: {  	[hbm4b:s14+s1] =	stream.linear.scatter @p0 [tilespmem:s7], [sflag:$0x12], $0x80, $0x38;
	[tilespmem:$0x10580] =	vst v63  }
0x76: {  	s1 =	simm.s32 @!p0 $0x11  }
0x77: {  	_ =	swait.ge @!p0 [sflag:s1], $0x80  }
0x78: {  	[sflag:s1] =	ssyncset.done @!p0 $0x0  }
0x79: {  	[sflag:s1] =	ssyncadd.s32 @!p0 $0xFFFFFF80  }
0x7a: {  	s8 =	simm.s32 @!p0 $0x10500;
	s7 =	simm.s32 @!p0 $0x0;
	s9 =	rddreg [dreg:$0x4]  }
0x7b: {  	[hbm4b:s9+s7] =	stream.linear.scatter @!p0 [tilespmem:s8], [sflag:$0x11], $0x80, $0x38;
	[tilespmem:$0x10580] =	vst v63  }
0x7c: {  	s8 =	simm.s32 @!p0 $0x10400  }
0x7d: {  	[hbm4b:s14+s7] =	stream.linear.scatter @!p0 [tilespmem:s8], [sflag:$0x12], $0x80, $0x38;
	[tilespmem:$0x10580] =	vst v63  }
0x7e: {  	s25 =	sadd.s32 $0x1, s25;
	s7 =	simm.s32 @!p0 $0x12  }
0x7f: {  	p1 =	sne.s32 s25, s15;
	_ =	swait.ge @!p0 [sflag:s7], $0x80  }
.Ltmp2:
0x80: {  	[sflag:s7] =	ssyncset.done @!p0 $0x0;
	(pc) =	sbr.rel @p1 .LBB2_1-.Ltmp2, $4  }
0x81: {  	s1 =	simm.s32 @p0 $0x12;
	[sflag:s7] =	ssyncadd.s32 @!p0 $0xFFFFFF80  }
0x82: {  	_ =	swait.ge [sflag:s1], $0x80  }
0x83: {  	[sflag:s1] =	ssyncset.done $0x0  }
0x84: {  	[sflag:s1] =	ssyncadd.s32 $0xFFFFFF80  }
0x85: {  	_ =	sfence.sel $0x180000  }
0x86: {  	[bflag:$0x0] =	sbarrier.arrive $0xFFFF  }
0x87: {  	_ =	strace $0x90000047  }
0x88: {  	s0 =	stileid.u32;
	[bflag:$0x2] =	sbarrier.arrive $0xFFFF  }
0x89: {  	p0 =	sne.s32 s0, $0x0;
	s0 =	rddreg [dreg:$0x5]  }
0x8a: {  	s0 =	sadd.s32 @!p0 $0x100000, s0  }
0x8b: {  	[sflag:s0] =	ssyncadd.tile.s32 @!p0 $0x1;
	_ =	shalt  }
.Lfunc_end2:
_tile_overlayer_lowered:
.L_overlay_start_2:
0x8c: {  	(tag) =	ssettag $0x2  }
0x8d: {  	s0 =	rddreg [dreg:$0x0];
	s2 =	stileid.u32  }
0x8e: {  	s1 =	rddreg [dreg:$0x1];
	p0 =	sne.s32 s2, $0x0  }
0x8f: {  	s3 =	rddreg [dreg:$0x2];
	[bflag:$0x3] =	sbarrier.arrive $0xFFFF;
	s2 =	simm.s32 @!p0 $0x1C12  }
0x90: {  	[timem:s3], [sflag:s2] =	dma.local @!p0 [hbm:s0], s1  }
0x91: {  	s0 =	simm.s32 @!p0 $0x12  }
0x92: {  	_ =	swait.ge @!p0 [sflag:s0], s1  }
0x93: {  	s1 =	ssub.s32 @!p0 $0x0, s1;
	[sflag:s0] =	ssyncset.done @!p0 $0x0  }
0x94: {  	[sflag:s0] =	ssyncadd.s32 @!p0 s1  }
0x95: {  	[bflag:$0x3] =	sbarrier.arrive $0xFFFF  }
0x96: {  	_ =	shalt  }

</sc_bundles>
